<compile_context>
chip_gen: v7x
topology: tpu7x:2x2x1
jax: 0.10.2.dev20260603
libtpu: 0.0.44.dev20260713+nightly
codegen_flags: <defaults>
</compile_context>

<pallas_src>
import jax
import jax.numpy as jnp
from jax import lax
from jax.experimental import pallas as pl
from jax.experimental.pallas import tpu as pltpu
from jax.experimental.pallas import tpu_sc as plsc

_DIM = 128
_SCALE = float(_DIM) ** 0.5

_NC = 2
_NS = 16
_NW = _NC * _NS
_LANES = 16

_CB = 128
_G = 128
_NGATH = _CB // _G
_NBUF = 5
_LA = 4


def _make_kernel(n_groups):
    n_slots = n_groups * _NBUF
    rows_pw = n_slots * _CB
    mesh = plsc.VectorSubcoreMesh(
        core_axis_name="c", subcore_axis_name="s", num_cores=_NC,
        num_subcores=_NS)

    def body(idx_hbm, w_hbm, out_hbm, idx_v, bufs, gsems, osems):
        c = lax.axis_index("c")
        s = lax.axis_index("s")
        wid = s * _NC + c

        pltpu.sync_copy(idx_hbm.at[wid], idx_v)

        def issue_gather(gg, jj, buf, sem):
            for h in range(_NGATH):
                pltpu.async_copy(
                    w_hbm.at[idx_v.at[gg, jj, h]],
                    buf.at[pl.ds(h * _G, _G)], sem)

        def wait_gather(buf, sem):
            for h in range(_NGATH):
                pltpu.make_async_copy(
                    w_hbm.at[pl.ds(0, _G)], buf.at[pl.ds(h * _G, _G)],
                    sem).wait()

        def wait_write(buf, sem):
            pltpu.make_async_copy(buf, out_hbm.at[pl.ds(0, _CB)], sem).wait()

        for jj in range(_LA):
            issue_gather(0, jj, bufs[jj], gsems[jj])

        def group_body(g, carry):
            for j in range(_NBUF):
                k = g * _NBUF + j
                jp = (j + _LA) % _NBUF
                gp = g + (j + _LA) // _NBUF
                kp = k + _LA

                @pl.when(kp < n_slots)
                def _():
                    @pl.when(kp >= _NBUF)
                    def _():
                        wait_write(bufs[jp], osems[jp])

                    issue_gather(gp, jp, bufs[jp], gsems[jp])

                wait_gather(bufs[j], gsems[j])

                buf = bufs[j]

                def row_body(r, carry2):
                    for v in range(_DIM // _LANES):
                        sl = pl.ds(v * _LANES, _LANES)
                        buf[r, sl] = buf[r, sl] * _SCALE
                    return carry2

                lax.fori_loop(0, _CB, row_body, 0, unroll=2)

                base = wid * rows_pw + k * _CB
                pltpu.async_copy(bufs[j], out_hbm.at[pl.ds(base, _CB)],
                                 osems[j])
            return carry

        lax.fori_loop(0, n_groups, group_body, 0)

        for j in range(_NBUF):
            wait_write(bufs[j], osems[j])

    return pl.kernel(
        body,
        out_type=jax.ShapeDtypeStruct((_NW * rows_pw, _DIM), jnp.float32),
        mesh=mesh,
        scratch_types=[
            pltpu.VMEM((n_groups, _NBUF, _NGATH, _G), jnp.int32),
            [pltpu.VMEM((_CB, _DIM), jnp.float32) for _ in range(_NBUF)],
            [pltpu.SemaphoreType.DMA for _ in range(_NBUF)],
            [pltpu.SemaphoreType.DMA for _ in range(_NBUF)],
        ],
    )


def kernel(input_ids, weight):
    b, l = input_ids.shape
    total = b * l
    rows_pw = total // _NW
    assert total % (_NW * _NBUF * _CB) == 0
    n_groups = rows_pw // (_NBUF * _CB)
    ids_t = jnp.transpose(input_ids)
    idx = ids_t.reshape(_NW, n_groups, _NBUF, _NGATH, _G).astype(jnp.int32)
    out = _make_kernel(n_groups)(idx, weight)
    return jnp.transpose(out.reshape(l, b, _DIM), (1, 0, 2))

# --- scband reference (transcript-rebuilt; emitter-appended) ---
"""Pipeline reference for scband-gemma4-scaled-embedding-75376676045207 (READ-ONLY COPY).

The authoritative reference and input builder live on the scoring server;
editing this copy changes nothing except your own understanding.
"""

import jax, jax.numpy as jnp
import numpy as np

VOCAB = 1000000
DIM = 128
B = 4096
L = 50
PADDING_IDX = 0


def setup_inputs(seed: int = 0) -> dict:
    key = jax.random.key(seed)
    k1, k2 = jax.random.split(key)
    input_ids = jax.random.randint(k1, (B, L), 0, VOCAB)
    weight = jax.random.normal(k2, (VOCAB, DIM), dtype=jnp.float32) * 0.02
    return {"input_ids": input_ids, "weight": weight}


def reference(input_ids, weight):
    # F.embedding: gather rows of weight by input_ids (padding_idx only affects grads)
    embed_scale = float(DIM) ** 0.5
    out = jnp.take(weight, input_ids, axis=0)
    return out * embed_scale

if __name__ == "__main__":
    import jax
    _d = setup_inputs()
    print(jax.jit(kernel)(*tuple(_d.values())))

</pallas_src>

<mosaic_0001>
#map = affine_map<(d0, d1) -> (0, 0, 0, 0, 0)>
#map1 = affine_map<(d0, d1) -> (0, 0)>
module attributes {stable_mosaic.version = 14 : i64} {
  func.func @body(%arg0: i32, %arg1: i32, %arg2: memref<32x10x5x1x128xi32, #tpu.memory_space<hbm>>, %arg3: memref<1000000x128xf32, #tpu.memory_space<hbm>>, %arg4: memref<204800x128xf32, #tpu.memory_space<hbm>>, %arg5: memref<10x5x1x128xi32, #tpu.memory_space<vmem>>, %arg6: memref<128x128xf32, #tpu.memory_space<vmem>>, %arg7: memref<128x128xf32, #tpu.memory_space<vmem>>, %arg8: memref<128x128xf32, #tpu.memory_space<vmem>>, %arg9: memref<128x128xf32, #tpu.memory_space<vmem>>, %arg10: memref<128x128xf32, #tpu.memory_space<vmem>>, %arg11: memref<!tpu.dma_semaphore, #tpu.memory_space<semaphore_mem>>, %arg12: memref<!tpu.dma_semaphore, #tpu.memory_space<semaphore_mem>>, %arg13: memref<!tpu.dma_semaphore, #tpu.memory_space<semaphore_mem>>, %arg14: memref<!tpu.dma_semaphore, #tpu.memory_space<semaphore_mem>>, %arg15: memref<!tpu.dma_semaphore, #tpu.memory_space<semaphore_mem>>, %arg16: memref<!tpu.dma_semaphore, #tpu.memory_space<semaphore_mem>>, %arg17: memref<!tpu.dma_semaphore, #tpu.memory_space<semaphore_mem>>, %arg18: memref<!tpu.dma_semaphore, #tpu.memory_space<semaphore_mem>>, %arg19: memref<!tpu.dma_semaphore, #tpu.memory_space<semaphore_mem>>, %arg20: memref<!tpu.dma_semaphore, #tpu.memory_space<semaphore_mem>>) attributes {dimension_semantics = [#tpu.dimension_semantics<core_parallel>, #tpu.dimension_semantics<subcore_parallel>], iteration_bounds = array<i64: 2, 16>, scalar_prefetch = 0 : i64, scratch_operands = 16 : i64, tpu.core_type = #tpu.core_type<sc_vector_subcore>, window_params = [{transform_indices = #map}, {transform_indices = #map1}, {transform_indices = #map1}]} {
    %mul3A = arith.constant 2 : i32
    %mul3A_0 = arith.muli %arg1, %mul3A : i32
    %add3A = arith.addi %mul3A_0, %arg0 : i32
    "tpu.region"() ({
      %run_scoped3A = tpu.sem_alloc : memref<!tpu.dma_semaphore, #tpu.memory_space<semaphore_mem>>
      %dma_start3A_82 = arith.constant 0 : i32
      %dma_start3A_83 = arith.constant 0 : i32
      %dma_start3A_84 = arith.constant 0 : i32
      %dma_start3A_85 = arith.constant 0 : i32
      %dma_start3A_86 = tpu.memref_slice %arg2[%add3A, %dma_start3A_82, %dma_start3A_83, %dma_start3A_84, %dma_start3A_85] : memref<32x10x5x1x128xi32, #tpu.memory_space<hbm>> -> memref<1x10x5x1x128xi32, #tpu.memory_space<hbm>>
      %dma_start3A_87 = tpu.memref_squeeze %dma_start3A_86 : memref<1x10x5x1x128xi32, #tpu.memory_space<hbm>> -> memref<10x5x1x128xi32, #tpu.memory_space<hbm>>
      %dma_start3A_88 = arith.constant 0 : i32
      %dma_start3A_89 = arith.constant 0 : i32
      %dma_start3A_90 = arith.constant 0 : i32
      %dma_start3A_91 = arith.constant 0 : i32
      %dma_start3A_92 = tpu.memref_slice %arg2[%add3A, %dma_start3A_88, %dma_start3A_89, %dma_start3A_90, %dma_start3A_91] : memref<32x10x5x1x128xi32, #tpu.memory_space<hbm>> -> memref<1x10x5x1x128xi32, #tpu.memory_space<hbm>>
      %dma_start3A_93 = tpu.memref_squeeze %dma_start3A_92 : memref<1x10x5x1x128xi32, #tpu.memory_space<hbm>> -> memref<10x5x1x128xi32, #tpu.memory_space<hbm>>
      tpu.enqueue_dma source(%dma_start3A_93 : memref<10x5x1x128xi32, #tpu.memory_space<hbm>>) target(%arg5 : memref<10x5x1x128xi32, #tpu.memory_space<vmem>>) target_semaphore(%run_scoped3A : memref<!tpu.dma_semaphore, #tpu.memory_space<semaphore_mem>>)
      %dma_wait3A_94 = arith.constant 0 : i32
      %dma_wait3A_95 = arith.constant 0 : i32
      %dma_wait3A_96 = arith.constant 0 : i32
      %dma_wait3A_97 = arith.constant 0 : i32
      %dma_wait3A_98 = tpu.memref_slice %arg2[%add3A, %dma_wait3A_94, %dma_wait3A_95, %dma_wait3A_96, %dma_wait3A_97] : memref<32x10x5x1x128xi32, #tpu.memory_space<hbm>> -> memref<1x10x5x1x128xi32, #tpu.memory_space<hbm>>
      %dma_wait3A_99 = tpu.memref_squeeze %dma_wait3A_98 : memref<1x10x5x1x128xi32, #tpu.memory_space<hbm>> -> memref<10x5x1x128xi32, #tpu.memory_space<hbm>>
      %dma_wait3A_100 = arith.constant 0 : i32
      %dma_wait3A_101 = arith.constant 0 : i32
      %dma_wait3A_102 = arith.constant 0 : i32
      %dma_wait3A_103 = arith.constant 0 : i32
      %dma_wait3A_104 = tpu.memref_slice %arg2[%add3A, %dma_wait3A_100, %dma_wait3A_101, %dma_wait3A_102, %dma_wait3A_103] : memref<32x10x5x1x128xi32, #tpu.memory_space<hbm>> -> memref<1x10x5x1x128xi32, #tpu.memory_space<hbm>>
      %dma_wait3A_105 = tpu.memref_squeeze %dma_wait3A_104 : memref<1x10x5x1x128xi32, #tpu.memory_space<hbm>> -> memref<10x5x1x128xi32, #tpu.memory_space<hbm>>
      tpu.wait_dma2 semaphore(%run_scoped3A : memref<!tpu.dma_semaphore, #tpu.memory_space<semaphore_mem>>) src(%dma_wait3A_105 : memref<10x5x1x128xi32, #tpu.memory_space<hbm>>) dst(%arg5 : memref<10x5x1x128xi32, #tpu.memory_space<vmem>>)
      tpu.yield
    }) : () -> ()
    %dma_start3A = arith.constant 0 : i32
    %dma_start3A_1 = arith.constant 0 : i32
    %dma_start3A_2 = arith.constant 0 : i32
    %dma_start3A_3 = arith.constant 0 : i32
    %dma_start3A_4 = arith.constant 0 : i32
    %dma_start3A_5 = tpu.memref_slice %arg6[%dma_start3A_3, %dma_start3A_4] : memref<128x128xf32, #tpu.memory_space<vmem>> -> memref<128x128xf32, #tpu.memory_space<vmem>>
    %dma_start3A_6 = arith.constant 0 : i32
    %dma_start3A_7 = tpu.memref_slice %arg5[%dma_start3A, %dma_start3A_1, %dma_start3A_2, %dma_start3A_6] : memref<10x5x1x128xi32, #tpu.memory_space<vmem>> -> memref<1x1x1x128xi32, #tpu.memory_space<vmem>>
    %dma_start3A_8 = tpu.memref_squeeze %dma_start3A_7 : memref<1x1x1x128xi32, #tpu.memory_space<vmem>> -> memref<128xi32, #tpu.memory_space<vmem>>
    %dma_start3A_9 = arith.constant 0 : i32
    %dma_start3A_10 = arith.constant 0 : i32
    %dma_start3A_11 = tpu.memref_slice %arg3[%dma_start3A_9, %dma_start3A_10] : memref<1000000x128xf32, #tpu.memory_space<hbm>> -> memref<1000000x128xf32, #tpu.memory_space<hbm>>
    tpu.enqueue_indirect_dma source(%dma_start3A_11 : memref<1000000x128xf32, #tpu.memory_space<hbm>>) target(%dma_start3A_5 : memref<128x128xf32, #tpu.memory_space<vmem>>) offsets(%dma_start3A_8 : memref<128xi32, #tpu.memory_space<vmem>>) semaphore(%arg11 : memref<!tpu.dma_semaphore, #tpu.memory_space<semaphore_mem>>)
    %dma_start3A_12 = arith.constant 0 : i32
    %dma_start3A_13 = arith.constant 1 : i32
    %dma_start3A_14 = arith.constant 0 : i32
    %dma_start3A_15 = arith.constant 0 : i32
    %dma_start3A_16 = arith.constant 0 : i32
    %dma_start3A_17 = tpu.memref_slice %arg7[%dma_start3A_15, %dma_start3A_16] : memref<128x128xf32, #tpu.memory_space<vmem>> -> memref<128x128xf32, #tpu.memory_space<vmem>>
    %dma_start3A_18 = arith.constant 0 : i32
    %dma_start3A_19 = tpu.memref_slice %arg5[%dma_start3A_12, %dma_start3A_13, %dma_start3A_14, %dma_start3A_18] : memref<10x5x1x128xi32, #tpu.memory_space<vmem>> -> memref<1x1x1x128xi32, #tpu.memory_space<vmem>>
    %dma_start3A_20 = tpu.memref_squeeze %dma_start3A_19 : memref<1x1x1x128xi32, #tpu.memory_space<vmem>> -> memref<128xi32, #tpu.memory_space<vmem>>
    %dma_start3A_21 = arith.constant 0 : i32
    %dma_start3A_22 = arith.constant 0 : i32
    %dma_start3A_23 = tpu.memref_slice %arg3[%dma_start3A_21, %dma_start3A_22] : memref<1000000x128xf32, #tpu.memory_space<hbm>> -> memref<1000000x128xf32, #tpu.memory_space<hbm>>
    tpu.enqueue_indirect_dma source(%dma_start3A_23 : memref<1000000x128xf32, #tpu.memory_space<hbm>>) target(%dma_start3A_17 : memref<128x128xf32, #tpu.memory_space<vmem>>) offsets(%dma_start3A_20 : memref<128xi32, #tpu.memory_space<vmem>>) semaphore(%arg12 : memref<!tpu.dma_semaphore, #tpu.memory_space<semaphore_mem>>)
    %dma_start3A_24 = arith.constant 0 : i32
    %dma_start3A_25 = arith.constant 2 : i32
    %dma_start3A_26 = arith.constant 0 : i32
    %dma_start3A_27 = arith.constant 0 : i32
    %dma_start3A_28 = arith.constant 0 : i32
    %dma_start3A_29 = tpu.memref_slice %arg8[%dma_start3A_27, %dma_start3A_28] : memref<128x128xf32, #tpu.memory_space<vmem>> -> memref<128x128xf32, #tpu.memory_space<vmem>>
    %dma_start3A_30 = arith.constant 0 : i32
    %dma_start3A_31 = tpu.memref_slice %arg5[%dma_start3A_24, %dma_start3A_25, %dma_start3A_26, %dma_start3A_30] : memref<10x5x1x128xi32, #tpu.memory_space<vmem>> -> memref<1x1x1x128xi32, #tpu.memory_space<vmem>>
    %dma_start3A_32 = tpu.memref_squeeze %dma_start3A_31 : memref<1x1x1x128xi32, #tpu.memory_space<vmem>> -> memref<128xi32, #tpu.memory_space<vmem>>
    %dma_start3A_33 = arith.constant 0 : i32
    %dma_start3A_34 = arith.constant 0 : i32
    %dma_start3A_35 = tpu.memref_slice %arg3[%dma_start3A_33, %dma_start3A_34] : memref<1000000x128xf32, #tpu.memory_space<hbm>> -> memref<1000000x128xf32, #tpu.memory_space<hbm>>
    tpu.enqueue_indirect_dma source(%dma_start3A_35 : memref<1000000x128xf32, #tpu.memory_space<hbm>>) target(%dma_start3A_29 : memref<128x128xf32, #tpu.memory_space<vmem>>) offsets(%dma_start3A_32 : memref<128xi32, #tpu.memory_space<vmem>>) semaphore(%arg13 : memref<!tpu.dma_semaphore, #tpu.memory_space<semaphore_mem>>)
    %dma_start3A_36 = arith.constant 0 : i32
    %dma_start3A_37 = arith.constant 3 : i32
    %dma_start3A_38 = arith.constant 0 : i32
    %dma_start3A_39 = arith.constant 0 : i32
    %dma_start3A_40 = arith.constant 0 : i32
    %dma_start3A_41 = tpu.memref_slice %arg9[%dma_start3A_39, %dma_start3A_40] : memref<128x128xf32, #tpu.memory_space<vmem>> -> memref<128x128xf32, #tpu.memory_space<vmem>>
    %dma_start3A_42 = arith.constant 0 : i32
    %dma_start3A_43 = tpu.memref_slice %arg5[%dma_start3A_36, %dma_start3A_37, %dma_start3A_38, %dma_start3A_42] : memref<10x5x1x128xi32, #tpu.memory_space<vmem>> -> memref<1x1x1x128xi32, #tpu.memory_space<vmem>>
    %dma_start3A_44 = tpu.memref_squeeze %dma_start3A_43 : memref<1x1x1x128xi32, #tpu.memory_space<vmem>> -> memref<128xi32, #tpu.memory_space<vmem>>
    %dma_start3A_45 = arith.constant 0 : i32
    %dma_start3A_46 = arith.constant 0 : i32
    %dma_start3A_47 = tpu.memref_slice %arg3[%dma_start3A_45, %dma_start3A_46] : memref<1000000x128xf32, #tpu.memory_space<hbm>> -> memref<1000000x128xf32, #tpu.memory_space<hbm>>
    tpu.enqueue_indirect_dma source(%dma_start3A_47 : memref<1000000x128xf32, #tpu.memory_space<hbm>>) target(%dma_start3A_41 : memref<128x128xf32, #tpu.memory_space<vmem>>) offsets(%dma_start3A_44 : memref<128xi32, #tpu.memory_space<vmem>>) semaphore(%arg14 : memref<!tpu.dma_semaphore, #tpu.memory_space<semaphore_mem>>)
    %scan3A = arith.constant 0 : i32
    %scan3A_48 = arith.constant 0 : i32
    %scan3A_49 = arith.constant 10 : i32
    %scan3A_50 = arith.addi %scan3A_48, %scan3A_49 : i32
    %scan3A_51 = arith.constant 1 : i32
    scf.for %scan3A_82 = %scan3A_48 to %scan3A_50 step %scan3A_51  : i32 {
      %mul3A_83 = arith.constant 5 : i32
      %mul3A_84 = arith.muli %scan3A_82, %mul3A_83 : i32
      %add3A_85 = arith.constant 0 : i32
      %add3A_86 = arith.addi %mul3A_84, %add3A_85 : i32
      %add3A_87 = arith.constant 0 : i32
      %add3A_88 = arith.addi %scan3A_82, %add3A_87 : i32
      %add3A_89 = arith.constant 4 : i32
      %add3A_90 = arith.addi %add3A_86, %add3A_89 : i32
      %lt3A = arith.constant 50 : i32
      %lt3A_91 = arith.cmpi slt, %add3A_90, %lt3A : i32
      %convert_element_type3A = arith.extui %lt3A_91 : i1 to i32
      %cond3A = arith.constant 0 : i32
      %cond3A_92 = arith.cmpi ne, %convert_element_type3A, %cond3A : i32
      scf.if %cond3A_92 {
        %ge3A = arith.constant 5 : i32
        %ge3A_280 = arith.cmpi sge, %add3A_90, %ge3A : i32
        %convert_element_type3A_281 = arith.extui %ge3A_280 : i1 to i32
        %cond3A_282 = arith.constant 0 : i32
        %cond3A_283 = arith.cmpi ne, %convert_element_type3A_281, %cond3A_282 : i32
        scf.if %cond3A_283 {
          %dma_wait3A_295 = arith.constant 0 : i32
          %dma_wait3A_296 = arith.constant 0 : i32
          %dma_wait3A_297 = tpu.memref_slice %arg4[%dma_wait3A_295, %dma_wait3A_296] : memref<204800x128xf32, #tpu.memory_space<hbm>> -> memref<128x128xf32, #tpu.memory_space<hbm>>
          %dma_wait3A_298 = arith.constant 0 : i32
          %dma_wait3A_299 = arith.constant 0 : i32
          %dma_wait3A_300 = tpu.memref_slice %arg4[%dma_wait3A_298, %dma_wait3A_299] : memref<204800x128xf32, #tpu.memory_space<hbm>> -> memref<128x128xf32, #tpu.memory_space<hbm>>
          tpu.wait_dma2 semaphore(%arg20 : memref<!tpu.dma_semaphore, #tpu.memory_space<semaphore_mem>>) src(%arg10 : memref<128x128xf32, #tpu.memory_space<vmem>>) dst(%dma_wait3A_300 : memref<128x128xf32, #tpu.memory_space<hbm>>)
        } else {
        }
        %dma_start3A_284 = arith.constant 4 : i32
        %dma_start3A_285 = arith.constant 0 : i32
        %dma_start3A_286 = arith.constant 0 : i32
        %dma_start3A_287 = arith.constant 0 : i32
        %dma_start3A_288 = tpu.memref_slice %arg10[%dma_start3A_286, %dma_start3A_287] : memref<128x128xf32, #tpu.memory_space<vmem>> -> memref<128x128xf32, #tpu.memory_space<vmem>>
        %dma_start3A_289 = arith.constant 0 : i32
        %dma_start3A_290 = tpu.memref_slice %arg5[%add3A_88, %dma_start3A_284, %dma_start3A_285, %dma_start3A_289] : memref<10x5x1x128xi32, #tpu.memory_space<vmem>> -> memref<1x1x1x128xi32, #tpu.memory_space<vmem>>
        %dma_start3A_291 = tpu.memref_squeeze %dma_start3A_290 : memref<1x1x1x128xi32, #tpu.memory_space<vmem>> -> memref<128xi32, #tpu.memory_space<vmem>>
        %dma_start3A_292 = arith.constant 0 : i32
        %dma_start3A_293 = arith.constant 0 : i32
        %dma_start3A_294 = tpu.memref_slice %arg3[%dma_start3A_292, %dma_start3A_293] : memref<1000000x128xf32, #tpu.memory_space<hbm>> -> memref<1000000x128xf32, #tpu.memory_space<hbm>>
        tpu.enqueue_indirect_dma source(%dma_start3A_294 : memref<1000000x128xf32, #tpu.memory_space<hbm>>) target(%dma_start3A_288 : memref<128x128xf32, #tpu.memory_space<vmem>>) offsets(%dma_start3A_291 : memref<128xi32, #tpu.memory_space<vmem>>) semaphore(%arg15 : memref<!tpu.dma_semaphore, #tpu.memory_space<semaphore_mem>>)
      } else {
      }
      %dma_wait3A_93 = arith.constant 0 : i32
      %dma_wait3A_94 = arith.constant 0 : i32
      %dma_wait3A_95 = tpu.memref_slice %arg6[%dma_wait3A_93, %dma_wait3A_94] : memref<128x128xf32, #tpu.memory_space<vmem>> -> memref<128x128xf32, #tpu.memory_space<vmem>>
      %dma_wait3A_96 = arith.constant 0 : i32
      %dma_wait3A_97 = arith.constant 0 : i32
      %dma_wait3A_98 = tpu.memref_slice %arg3[%dma_wait3A_96, %dma_wait3A_97] : memref<1000000x128xf32, #tpu.memory_space<hbm>> -> memref<128x128xf32, #tpu.memory_space<hbm>>
      %dma_wait3A_99 = arith.constant 0 : i32
      %dma_wait3A_100 = arith.constant 0 : i32
      %dma_wait3A_101 = tpu.memref_slice %arg6[%dma_wait3A_99, %dma_wait3A_100] : memref<128x128xf32, #tpu.memory_space<vmem>> -> memref<128x128xf32, #tpu.memory_space<vmem>>
      %dma_wait3A_102 = arith.constant 0 : i32
      %dma_wait3A_103 = arith.constant 0 : i32
      %dma_wait3A_104 = tpu.memref_slice %arg3[%dma_wait3A_102, %dma_wait3A_103] : memref<1000000x128xf32, #tpu.memory_space<hbm>> -> memref<128x128xf32, #tpu.memory_space<hbm>>
      tpu.wait_dma2 semaphore(%arg11 : memref<!tpu.dma_semaphore, #tpu.memory_space<semaphore_mem>>) src(%dma_wait3A_104 : memref<128x128xf32, #tpu.memory_space<hbm>>) dst(%dma_wait3A_101 : memref<128x128xf32, #tpu.memory_space<vmem>>)
      %scan3A_105 = arith.constant 0 : i32
      %scan3A_106 = arith.constant 0 : i32
      %scan3A_107 = arith.constant 128 : i32
      %scan3A_108 = arith.addi %scan3A_106, %scan3A_107 : i32
      %scan3A_109 = arith.constant 2 : i32
      scf.for %scan3A_280 = %scan3A_106 to %scan3A_108 step %scan3A_109  : i32 {
        %get3A = arith.index_cast %scan3A_280 : i32 to index
        %get3A_281 = arith.constant 0 : index
        %get3A_282 = tpu.vector_load %arg6[%get3A, %get3A_281] {strides = array<i32>} : memref<128x128xf32, #tpu.memory_space<vmem>>, vector<1x16xf32>,
        %get3A_283 = vector.shape_cast %get3A_282 : vector<1x16xf32> to vector<16xf32>
        %mul3A_284 = arith.constant 11.3137083 : f32
        %mul3A_285 = vector.broadcast %mul3A_284 : f32 to vector<16xf32>
        %mul3A_286 = arith.mulf %get3A_283, %mul3A_285 : vector<16xf32>
        %swap3A = arith.index_cast %scan3A_280 : i32 to index
        %swap3A_287 = arith.constant 0 : index
        %swap3A_288 = tpu.vector_load %arg6[%swap3A, %swap3A_287] {strides = array<i32>} : memref<128x128xf32, #tpu.memory_space<vmem>>, vector<1x16xf32>,
        %swap3A_289 = vector.shape_cast %swap3A_288 : vector<1x16xf32> to vector<16xf32>
        %swap3A_290 = vector.shape_cast %mul3A_286 : vector<16xf32> to vector<1x16xf32>
        tpu.vector_store %arg6[%swap3A, %swap3A_287], %swap3A_290 {strides = array<i32>} : memref<128x128xf32, #tpu.memory_space<vmem>>, vector<1x16xf32>,
        %get3A_291 = arith.index_cast %scan3A_280 : i32 to index
        %get3A_292 = arith.constant 16 : index
        %get3A_293 = tpu.vector_load %arg6[%get3A_291, %get3A_292] {strides = array<i32>} : memref<128x128xf32, #tpu.memory_space<vmem>>, vector<1x16xf32>,
        %get3A_294 = vector.shape_cast %get3A_293 : vector<1x16xf32> to vector<16xf32>
        %mul3A_295 = arith.constant 11.3137083 : f32
        %mul3A_296 = vector.broadcast %mul3A_295 : f32 to vector<16xf32>
        %mul3A_297 = arith.mulf %get3A_294, %mul3A_296 : vector<16xf32>
        %swap3A_298 = arith.index_cast %scan3A_280 : i32 to index
        %swap3A_299 = arith.constant 16 : index
        %swap3A_300 = tpu.vector_load %arg6[%swap3A_298, %swap3A_299] {strides = array<i32>} : memref<128x128xf32, #tpu.memory_space<vmem>>, vector<1x16xf32>,
        %swap3A_301 = vector.shape_cast %swap3A_300 : vector<1x16xf32> to vector<16xf32>
        %swap3A_302 = vector.shape_cast %mul3A_297 : vector<16xf32> to vector<1x16xf32>
        tpu.vector_store %arg6[%swap3A_298, %swap3A_299], %swap3A_302 {strides = array<i32>} : memref<128x128xf32, #tpu.memory_space<vmem>>, vector<1x16xf32>,
        %get3A_303 = arith.index_cast %scan3A_280 : i32 to index
        %get3A_304 = arith.constant 32 : index
        %get3A_305 = tpu.vector_load %arg6[%get3A_303, %get3A_304] {strides = array<i32>} : memref<128x128xf32, #tpu.memory_space<vmem>>, vector<1x16xf32>,
        %get3A_306 = vector.shape_cast %get3A_305 : vector<1x16xf32> to vector<16xf32>
        %mul3A_307 = arith.constant 11.3137083 : f32
        %mul3A_308 = vector.broadcast %mul3A_307 : f32 to vector<16xf32>
        %mul3A_309 = arith.mulf %get3A_306, %mul3A_308 : vector<16xf32>
        %swap3A_310 = arith.index_cast %scan3A_280 : i32 to index
        %swap3A_311 = arith.constant 32 : index
        %swap3A_312 = tpu.vector_load %arg6[%swap3A_310, %swap3A_311] {strides = array<i32>} : memref<128x128xf32, #tpu.memory_space<vmem>>, vector<1x16xf32>,
        %swap3A_313 = vector.shape_cast %swap3A_312 : vector<1x16xf32> to vector<16xf32>
        %swap3A_314 = vector.shape_cast %mul3A_309 : vector<16xf32> to vector<1x16xf32>
        tpu.vector_store %arg6[%swap3A_310, %swap3A_311], %swap3A_314 {strides = array<i32>} : memref<128x128xf32, #tpu.memory_space<vmem>>, vector<1x16xf32>,
        %get3A_315 = arith.index_cast %scan3A_280 : i32 to index
        %get3A_316 = arith.constant 48 : index
        %get3A_317 = tpu.vector_load %arg6[%get3A_315, %get3A_316] {strides = array<i32>} : memref<128x128xf32, #tpu.memory_space<vmem>>, vector<1x16xf32>,
        %get3A_318 = vector.shape_cast %get3A_317 : vector<1x16xf32> to vector<16xf32>
        %mul3A_319 = arith.constant 11.3137083 : f32
        %mul3A_320 = vector.broadcast %mul3A_319 : f32 to vector<16xf32>
        %mul3A_321 = arith.mulf %get3A_318, %mul3A_320 : vector<16xf32>
        %swap3A_322 = arith.index_cast %scan3A_280 : i32 to index
        %swap3A_323 = arith.constant 48 : index
        %swap3A_324 = tpu.vector_load %arg6[%swap3A_322, %swap3A_323] {strides = array<i32>} : memref<128x128xf32, #tpu.memory_space<vmem>>, vector<1x16xf32>,
        %swap3A_325 = vector.shape_cast %swap3A_324 : vector<1x16xf32> to vector<16xf32>
        %swap3A_326 = vector.shape_cast %mul3A_321 : vector<16xf32> to vector<1x16xf32>
        tpu.vector_store %arg6[%swap3A_322, %swap3A_323], %swap3A_326 {strides = array<i32>} : memref<128x128xf32, #tpu.memory_space<vmem>>, vector<1x16xf32>,
        %get3A_327 = arith.index_cast %scan3A_280 : i32 to index
        %get3A_328 = arith.constant 64 : index
        %get3A_329 = tpu.vector_load %arg6[%get3A_327, %get3A_328] {strides = array<i32>} : memref<128x128xf32, #tpu.memory_space<vmem>>, vector<1x16xf32>,
        %get3A_330 = vector.shape_cast %get3A_329 : vector<1x16xf32> to vector<16xf32>
        %mul3A_331 = arith.constant 11.3137083 : f32
        %mul3A_332 = vector.broadcast %mul3A_331 : f32 to vector<16xf32>
        %mul3A_333 = arith.mulf %get3A_330, %mul3A_332 : vector<16xf32>
        %swap3A_334 = arith.index_cast %scan3A_280 : i32 to index
        %swap3A_335 = arith.constant 64 : index
        %swap3A_336 = tpu.vector_load %arg6[%swap3A_334, %swap3A_335] {strides = array<i32>} : memref<128x128xf32, #tpu.memory_space<vmem>>, vector<1x16xf32>,
        %swap3A_337 = vector.shape_cast %swap3A_336 : vector<1x16xf32> to vector<16xf32>
        %swap3A_338 = vector.shape_cast %mul3A_333 : vector<16xf32> to vector<1x16xf32>
        tpu.vector_store %arg6[%swap3A_334, %swap3A_335], %swap3A_338 {strides = array<i32>} : memref<128x128xf32, #tpu.memory_space<vmem>>, vector<1x16xf32>,
        %get3A_339 = arith.index_cast %scan3A_280 : i32 to index
        %get3A_340 = arith.constant 80 : index
        %get3A_341 = tpu.vector_load %arg6[%get3A_339, %get3A_340] {strides = array<i32>} : memref<128x128xf32, #tpu.memory_space<vmem>>, vector<1x16xf32>,
        %get3A_342 = vector.shape_cast %get3A_341 : vector<1x16xf32> to vector<16xf32>
        %mul3A_343 = arith.constant 11.3137083 : f32
        %mul3A_344 = vector.broadcast %mul3A_343 : f32 to vector<16xf32>
        %mul3A_345 = arith.mulf %get3A_342, %mul3A_344 : vector<16xf32>
        %swap3A_346 = arith.index_cast %scan3A_280 : i32 to index
        %swap3A_347 = arith.constant 80 : index
        %swap3A_348 = tpu.vector_load %arg6[%swap3A_346, %swap3A_347] {strides = array<i32>} : memref<128x128xf32, #tpu.memory_space<vmem>>, vector<1x16xf32>,
        %swap3A_349 = vector.shape_cast %swap3A_348 : vector<1x16xf32> to vector<16xf32>
        %swap3A_350 = vector.shape_cast %mul3A_345 : vector<16xf32> to vector<1x16xf32>
        tpu.vector_store %arg6[%swap3A_346, %swap3A_347], %swap3A_350 {strides = array<i32>} : memref<128x128xf32, #tpu.memory_space<vmem>>, vector<1x16xf32>,
        %get3A_351 = arith.index_cast %scan3A_280 : i32 to index
        %get3A_352 = arith.constant 96 : index
        %get3A_353 = tpu.vector_load %arg6[%get3A_351, %get3A_352] {strides = array<i32>} : memref<128x128xf32, #tpu.memory_space<vmem>>, vector<1x16xf32>,
        %get3A_354 = vector.shape_cast %get3A_353 : vector<1x16xf32> to vector<16xf32>
        %mul3A_355 = arith.constant 11.3137083 : f32
        %mul3A_356 = vector.broadcast %mul3A_355 : f32 to vector<16xf32>
        %mul3A_357 = arith.mulf %get3A_354, %mul3A_356 : vector<16xf32>
        %swap3A_358 = arith.index_cast %scan3A_280 : i32 to index
        %swap3A_359 = arith.constant 96 : index
        %swap3A_360 = tpu.vector_load %arg6[%swap3A_358, %swap3A_359] {strides = array<i32>} : memref<128x128xf32, #tpu.memory_space<vmem>>, vector<1x16xf32>,
        %swap3A_361 = vector.shape_cast %swap3A_360 : vector<1x16xf32> to vector<16xf32>
        %swap3A_362 = vector.shape_cast %mul3A_357 : vector<16xf32> to vector<1x16xf32>
        tpu.vector_store %arg6[%swap3A_358, %swap3A_359], %swap3A_362 {strides = array<i32>} : memref<128x128xf32, #tpu.memory_space<vmem>>, vector<1x16xf32>,
        %get3A_363 = arith.index_cast %scan3A_280 : i32 to index
        %get3A_364 = arith.constant 112 : index
        %get3A_365 = tpu.vector_load %arg6[%get3A_363, %get3A_364] {strides = array<i32>} : memref<128x128xf32, #tpu.memory_space<vmem>>, vector<1x16xf32>,
        %get3A_366 = vector.shape_cast %get3A_365 : vector<1x16xf32> to vector<16xf32>
        %mul3A_367 = arith.constant 11.3137083 : f32
        %mul3A_368 = vector.broadcast %mul3A_367 : f32 to vector<16xf32>
        %mul3A_369 = arith.mulf %get3A_366, %mul3A_368 : vector<16xf32>
        %swap3A_370 = arith.index_cast %scan3A_280 : i32 to index
        %swap3A_371 = arith.constant 112 : index
        %swap3A_372 = tpu.vector_load %arg6[%swap3A_370, %swap3A_371] {strides = array<i32>} : memref<128x128xf32, #tpu.memory_space<vmem>>, vector<1x16xf32>,
        %swap3A_373 = vector.shape_cast %swap3A_372 : vector<1x16xf32> to vector<16xf32>
        %swap3A_374 = vector.shape_cast %mul3A_369 : vector<16xf32> to vector<1x16xf32>
        tpu.vector_store %arg6[%swap3A_370, %swap3A_371], %swap3A_374 {strides = array<i32>} : memref<128x128xf32, #tpu.memory_space<vmem>>, vector<1x16xf32>,
        %scan3A_375 = arith.constant 1 : i32
        %scan3A_376 = arith.addi %scan3A_280, %scan3A_375 : i32
        %get3A_377 = arith.index_cast %scan3A_376 : i32 to index
        %get3A_378 = arith.constant 0 : index
        %get3A_379 = tpu.vector_load %arg6[%get3A_377, %get3A_378] {strides = array<i32>} : memref<128x128xf32, #tpu.memory_space<vmem>>, vector<1x16xf32>,
        %get3A_380 = vector.shape_cast %get3A_379 : vector<1x16xf32> to vector<16xf32>
        %mul3A_381 = arith.constant 11.3137083 : f32
        %mul3A_382 = vector.broadcast %mul3A_381 : f32 to vector<16xf32>
        %mul3A_383 = arith.mulf %get3A_380, %mul3A_382 : vector<16xf32>
        %swap3A_384 = arith.index_cast %scan3A_376 : i32 to index
        %swap3A_385 = arith.constant 0 : index
        %swap3A_386 = tpu.vector_load %arg6[%swap3A_384, %swap3A_385] {strides = array<i32>} : memref<128x128xf32, #tpu.memory_space<vmem>>, vector<1x16xf32>,
        %swap3A_387 = vector.shape_cast %swap3A_386 : vector<1x16xf32> to vector<16xf32>
        %swap3A_388 = vector.shape_cast %mul3A_383 : vector<16xf32> to vector<1x16xf32>
        tpu.vector_store %arg6[%swap3A_384, %swap3A_385], %swap3A_388 {strides = array<i32>} : memref<128x128xf32, #tpu.memory_space<vmem>>, vector<1x16xf32>,
        %get3A_389 = arith.index_cast %scan3A_376 : i32 to index
        %get3A_390 = arith.constant 16 : index
        %get3A_391 = tpu.vector_load %arg6[%get3A_389, %get3A_390] {strides = array<i32>} : memref<128x128xf32, #tpu.memory_space<vmem>>, vector<1x16xf32>,
        %get3A_392 = vector.shape_cast %get3A_391 : vector<1x16xf32> to vector<16xf32>
        %mul3A_393 = arith.constant 11.3137083 : f32
        %mul3A_394 = vector.broadcast %mul3A_393 : f32 to vector<16xf32>
        %mul3A_395 = arith.mulf %get3A_392, %mul3A_394 : vector<16xf32>
        %swap3A_396 = arith.index_cast %scan3A_376 : i32 to index
        %swap3A_397 = arith.constant 16 : index
        %swap3A_398 = tpu.vector_load %arg6[%swap3A_396, %swap3A_397] {strides = array<i32>} : memref<128x128xf32, #tpu.memory_space<vmem>>, vector<1x16xf32>,
        %swap3A_399 = vector.shape_cast %swap3A_398 : vector<1x16xf32> to vector<16xf32>
        %swap3A_400 = vector.shape_cast %mul3A_395 : vector<16xf32> to vector<1x16xf32>
        tpu.vector_store %arg6[%swap3A_396, %swap3A_397], %swap3A_400 {strides = array<i32>} : memref<128x128xf32, #tpu.memory_space<vmem>>, vector<1x16xf32>,
        %get3A_401 = arith.index_cast %scan3A_376 : i32 to index
        %get3A_402 = arith.constant 32 : index
        %get3A_403 = tpu.vector_load %arg6[%get3A_401, %get3A_402] {strides = array<i32>} : memref<128x128xf32, #tpu.memory_space<vmem>>, vector<1x16xf32>,
        %get3A_404 = vector.shape_cast %get3A_403 : vector<1x16xf32> to vector<16xf32>
        %mul3A_405 = arith.constant 11.3137083 : f32
        %mul3A_406 = vector.broadcast %mul3A_405 : f32 to vector<16xf32>
        %mul3A_407 = arith.mulf %get3A_404, %mul3A_406 : vector<16xf32>
        %swap3A_408 = arith.index_cast %scan3A_376 : i32 to index
        %swap3A_409 = arith.constant 32 : index
        %swap3A_410 = tpu.vector_load %arg6[%swap3A_408, %swap3A_409] {strides = array<i32>} : memref<128x128xf32, #tpu.memory_space<vmem>>, vector<1x16xf32>,
        %swap3A_411 = vector.shape_cast %swap3A_410 : vector<1x16xf32> to vector<16xf32>
        %swap3A_412 = vector.shape_cast %mul3A_407 : vector<16xf32> to vector<1x16xf32>
        tpu.vector_store %arg6[%swap3A_408, %swap3A_409], %swap3A_412 {strides = array<i32>} : memref<128x128xf32, #tpu.memory_space<vmem>>, vector<1x16xf32>,
        %get3A_413 = arith.index_cast %scan3A_376 : i32 to index
        %get3A_414 = arith.constant 48 : index
        %get3A_415 = tpu.vector_load %arg6[%get3A_413, %get3A_414] {strides = array<i32>} : memref<128x128xf32, #tpu.memory_space<vmem>>, vector<1x16xf32>,
        %get3A_416 = vector.shape_cast %get3A_415 : vector<1x16xf32> to vector<16xf32>
        %mul3A_417 = arith.constant 11.3137083 : f32
        %mul3A_418 = vector.broadcast %mul3A_417 : f32 to vector<16xf32>
        %mul3A_419 = arith.mulf %get3A_416, %mul3A_418 : vector<16xf32>
        %swap3A_420 = arith.index_cast %scan3A_376 : i32 to index
        %swap3A_421 = arith.constant 48 : index
        %swap3A_422 = tpu.vector_load %arg6[%swap3A_420, %swap3A_421] {strides = array<i32>} : memref<128x128xf32, #tpu.memory_space<vmem>>, vector<1x16xf32>,
        %swap3A_423 = vector.shape_cast %swap3A_422 : vector<1x16xf32> to vector<16xf32>
        %swap3A_424 = vector.shape_cast %mul3A_419 : vector<16xf32> to vector<1x16xf32>
        tpu.vector_store %arg6[%swap3A_420, %swap3A_421], %swap3A_424 {strides = array<i32>} : memref<128x128xf32, #tpu.memory_space<vmem>>, vector<1x16xf32>,
        %get3A_425 = arith.index_cast %scan3A_376 : i32 to index
        %get3A_426 = arith.constant 64 : index
        %get3A_427 = tpu.vector_load %arg6[%get3A_425, %get3A_426] {strides = array<i32>} : memref<128x128xf32, #tpu.memory_space<vmem>>, vector<1x16xf32>,
        %get3A_428 = vector.shape_cast %get3A_427 : vector<1x16xf32> to vector<16xf32>
        %mul3A_429 = arith.constant 11.3137083 : f32
        %mul3A_430 = vector.broadcast %mul3A_429 : f32 to vector<16xf32>
        %mul3A_431 = arith.mulf %get3A_428, %mul3A_430 : vector<16xf32>
        %swap3A_432 = arith.index_cast %scan3A_376 : i32 to index
        %swap3A_433 = arith.constant 64 : index
        %swap3A_434 = tpu.vector_load %arg6[%swap3A_432, %swap3A_433] {strides = array<i32>} : memref<128x128xf32, #tpu.memory_space<vmem>>, vector<1x16xf32>,
        %swap3A_435 = vector.shape_cast %swap3A_434 : vector<1x16xf32> to vector<16xf32>
        %swap3A_436 = vector.shape_cast %mul3A_431 : vector<16xf32> to vector<1x16xf32>
        tpu.vector_store %arg6[%swap3A_432, %swap3A_433], %swap3A_436 {strides = array<i32>} : memref<128x128xf32, #tpu.memory_space<vmem>>, vector<1x16xf32>,
        %get3A_437 = arith.index_cast %scan3A_376 : i32 to index
        %get3A_438 = arith.constant 80 : index
        %get3A_439 = tpu.vector_load %arg6[%get3A_437, %get3A_438] {strides = array<i32>} : memref<128x128xf32, #tpu.memory_space<vmem>>, vector<1x16xf32>,
        %get3A_440 = vector.shape_cast %get3A_439 : vector<1x16xf32> to vector<16xf32>
        %mul3A_441 = arith.constant 11.3137083 : f32
        %mul3A_442 = vector.broadcast %mul3A_441 : f32 to vector<16xf32>
        %mul3A_443 = arith.mulf %get3A_440, %mul3A_442 : vector<16xf32>
        %swap3A_444 = arith.index_cast %scan3A_376 : i32 to index
        %swap3A_445 = arith.constant 80 : index
        %swap3A_446 = tpu.vector_load %arg6[%swap3A_444, %swap3A_445] {strides = array<i32>} : memref<128x128xf32, #tpu.memory_space<vmem>>, vector<1x16xf32>,
        %swap3A_447 = vector.shape_cast %swap3A_446 : vector<1x16xf32> to vector<16xf32>
        %swap3A_448 = vector.shape_cast %mul3A_443 : vector<16xf32> to vector<1x16xf32>
        tpu.vector_store %arg6[%swap3A_444, %swap3A_445], %swap3A_448 {strides = array<i32>} : memref<128x128xf32, #tpu.memory_space<vmem>>, vector<1x16xf32>,
        %get3A_449 = arith.index_cast %scan3A_376 : i32 to index
        %get3A_450 = arith.constant 96 : index
        %get3A_451 = tpu.vector_load %arg6[%get3A_449, %get3A_450] {strides = array<i32>} : memref<128x128xf32, #tpu.memory_space<vmem>>, vector<1x16xf32>,
        %get3A_452 = vector.shape_cast %get3A_451 : vector<1x16xf32> to vector<16xf32>
        %mul3A_453 = arith.constant 11.3137083 : f32
        %mul3A_454 = vector.broadcast %mul3A_453 : f32 to vector<16xf32>
        %mul3A_455 = arith.mulf %get3A_452, %mul3A_454 : vector<16xf32>
        %swap3A_456 = arith.index_cast %scan3A_376 : i32 to index
        %swap3A_457 = arith.constant 96 : index
        %swap3A_458 = tpu.vector_load %arg6[%swap3A_456, %swap3A_457] {strides = array<i32>} : memref<128x128xf32, #tpu.memory_space<vmem>>, vector<1x16xf32>,
        %swap3A_459 = vector.shape_cast %swap3A_458 : vector<1x16xf32> to vector<16xf32>
        %swap3A_460 = vector.shape_cast %mul3A_455 : vector<16xf32> to vector<1x16xf32>
        tpu.vector_store %arg6[%swap3A_456, %swap3A_457], %swap3A_460 {strides = array<i32>} : memref<128x128xf32, #tpu.memory_space<vmem>>, vector<1x16xf32>,
        %get3A_461 = arith.index_cast %scan3A_376 : i32 to index
        %get3A_462 = arith.constant 112 : index
        %get3A_463 = tpu.vector_load %arg6[%get3A_461, %get3A_462] {strides = array<i32>} : memref<128x128xf32, #tpu.memory_space<vmem>>, vector<1x16xf32>,
        %get3A_464 = vector.shape_cast %get3A_463 : vector<1x16xf32> to vector<16xf32>
        %mul3A_465 = arith.constant 11.3137083 : f32
        %mul3A_466 = vector.broadcast %mul3A_465 : f32 to vector<16xf32>
        %mul3A_467 = arith.mulf %get3A_464, %mul3A_466 : vector<16xf32>
        %swap3A_468 = arith.index_cast %scan3A_376 : i32 to index
        %swap3A_469 = arith.constant 112 : index
        %swap3A_470 = tpu.vector_load %arg6[%swap3A_468, %swap3A_469] {strides = array<i32>} : memref<128x128xf32, #tpu.memory_space<vmem>>, vector<1x16xf32>,
        %swap3A_471 = vector.shape_cast %swap3A_470 : vector<1x16xf32> to vector<16xf32>
        %swap3A_472 = vector.shape_cast %mul3A_467 : vector<16xf32> to vector<1x16xf32>
        tpu.vector_store %arg6[%swap3A_468, %swap3A_469], %swap3A_472 {strides = array<i32>} : memref<128x128xf32, #tpu.memory_space<vmem>>, vector<1x16xf32>,
      }
      %scan3A_110 = arith.constant 128 : i32
      %mul3A_111 = arith.constant 6400 : i32
      %mul3A_112 = arith.muli %add3A, %mul3A_111 : i32
      %mul3A_113 = arith.constant 128 : i32
      %mul3A_114 = arith.muli %add3A_86, %mul3A_113 : i32
      %add3A_115 = arith.addi %mul3A_112, %mul3A_114 : i32
      %dma_start3A_116 = arith.constant 0 : i32
      %dma_start3A_117 = tpu.memref_slice %arg4[%add3A_115, %dma_start3A_116] : memref<204800x128xf32, #tpu.memory_space<hbm>> -> memref<128x128xf32, #tpu.memory_space<hbm>>
      %dma_start3A_118 = arith.constant 0 : i32
      %dma_start3A_119 = tpu.memref_slice %arg4[%add3A_115, %dma_start3A_118] : memref<204800x128xf32, #tpu.memory_space<hbm>> -> memref<128x128xf32, #tpu.memory_space<hbm>>
      tpu.enqueue_dma source(%arg6 : memref<128x128xf32, #tpu.memory_space<vmem>>) target(%dma_start3A_119 : memref<128x128xf32, #tpu.memory_space<hbm>>) target_semaphore(%arg16 : memref<!tpu.dma_semaphore, #tpu.memory_space<semaphore_mem>>)
      %mul3A_120 = arith.constant 5 : i32
      %mul3A_121 = arith.muli %scan3A_82, %mul3A_120 : i32
      %add3A_122 = arith.constant 1 : i32
      %add3A_123 = arith.addi %mul3A_121, %add3A_122 : i32
      %add3A_124 = arith.constant 1 : i32
      %add3A_125 = arith.addi %scan3A_82, %add3A_124 : i32
      %add3A_126 = arith.constant 4 : i32
      %add3A_127 = arith.addi %add3A_123, %add3A_126 : i32
      %lt3A_128 = arith.constant 50 : i32
      %lt3A_129 = arith.cmpi slt, %add3A_127, %lt3A_128 : i32
      %convert_element_type3A_130 = arith.extui %lt3A_129 : i1 to i32
      %cond3A_131 = arith.constant 0 : i32
      %cond3A_132 = arith.cmpi ne, %convert_element_type3A_130, %cond3A_131 : i32
      scf.if %cond3A_132 {
        %ge3A = arith.constant 5 : i32
        %ge3A_280 = arith.cmpi sge, %add3A_127, %ge3A : i32
        %convert_element_type3A_281 = arith.extui %ge3A_280 : i1 to i32
        %cond3A_282 = arith.constant 0 : i32
        %cond3A_283 = arith.cmpi ne, %convert_element_type3A_281, %cond3A_282 : i32
        scf.if %cond3A_283 {
          %dma_wait3A_295 = arith.constant 0 : i32
          %dma_wait3A_296 = arith.constant 0 : i32
          %dma_wait3A_297 = tpu.memref_slice %arg4[%dma_wait3A_295, %dma_wait3A_296] : memref<204800x128xf32, #tpu.memory_space<hbm>> -> memref<128x128xf32, #tpu.memory_space<hbm>>
          %dma_wait3A_298 = arith.constant 0 : i32
          %dma_wait3A_299 = arith.constant 0 : i32
          %dma_wait3A_300 = tpu.memref_slice %arg4[%dma_wait3A_298, %dma_wait3A_299] : memref<204800x128xf32, #tpu.memory_space<hbm>> -> memref<128x128xf32, #tpu.memory_space<hbm>>
          tpu.wait_dma2 semaphore(%arg16 : memref<!tpu.dma_semaphore, #tpu.memory_space<semaphore_mem>>) src(%arg6 : memref<128x128xf32, #tpu.memory_space<vmem>>) dst(%dma_wait3A_300 : memref<128x128xf32, #tpu.memory_space<hbm>>)
        } else {
        }
        %dma_start3A_284 = arith.constant 0 : i32
        %dma_start3A_285 = arith.constant 0 : i32
        %dma_start3A_286 = arith.constant 0 : i32
        %dma_start3A_287 = arith.constant 0 : i32
        %dma_start3A_288 = tpu.memref_slice %arg6[%dma_start3A_286, %dma_start3A_287] : memref<128x128xf32, #tpu.memory_space<vmem>> -> memref<128x128xf32, #tpu.memory_space<vmem>>
        %dma_start3A_289 = arith.constant 0 : i32
        %dma_start3A_290 = tpu.memref_slice %arg5[%add3A_125, %dma_start3A_284, %dma_start3A_285, %dma_start3A_289] : memref<10x5x1x128xi32, #tpu.memory_space<vmem>> -> memref<1x1x1x128xi32, #tpu.memory_space<vmem>>
        %dma_start3A_291 = tpu.memref_squeeze %dma_start3A_290 : memref<1x1x1x128xi32, #tpu.memory_space<vmem>> -> memref<128xi32, #tpu.memory_space<vmem>>
        %dma_start3A_292 = arith.constant 0 : i32
        %dma_start3A_293 = arith.constant 0 : i32
        %dma_start3A_294 = tpu.memref_slice %arg3[%dma_start3A_292, %dma_start3A_293] : memref<1000000x128xf32, #tpu.memory_space<hbm>> -> memref<1000000x128xf32, #tpu.memory_space<hbm>>
        tpu.enqueue_indirect_dma source(%dma_start3A_294 : memref<1000000x128xf32, #tpu.memory_space<hbm>>) target(%dma_start3A_288 : memref<128x128xf32, #tpu.memory_space<vmem>>) offsets(%dma_start3A_291 : memref<128xi32, #tpu.memory_space<vmem>>) semaphore(%arg11 : memref<!tpu.dma_semaphore, #tpu.memory_space<semaphore_mem>>)
      } else {
      }
      %dma_wait3A_133 = arith.constant 0 : i32
      %dma_wait3A_134 = arith.constant 0 : i32
      %dma_wait3A_135 = tpu.memref_slice %arg7[%dma_wait3A_133, %dma_wait3A_134] : memref<128x128xf32, #tpu.memory_space<vmem>> -> memref<128x128xf32, #tpu.memory_space<vmem>>
      %dma_wait3A_136 = arith.constant 0 : i32
      %dma_wait3A_137 = arith.constant 0 : i32
      %dma_wait3A_138 = tpu.memref_slice %arg3[%dma_wait3A_136, %dma_wait3A_137] : memref<1000000x128xf32, #tpu.memory_space<hbm>> -> memref<128x128xf32, #tpu.memory_space<hbm>>
      %dma_wait3A_139 = arith.constant 0 : i32
      %dma_wait3A_140 = arith.constant 0 : i32
      %dma_wait3A_141 = tpu.memref_slice %arg7[%dma_wait3A_139, %dma_wait3A_140] : memref<128x128xf32, #tpu.memory_space<vmem>> -> memref<128x128xf32, #tpu.memory_space<vmem>>
      %dma_wait3A_142 = arith.constant 0 : i32
      %dma_wait3A_143 = arith.constant 0 : i32
      %dma_wait3A_144 = tpu.memref_slice %arg3[%dma_wait3A_142, %dma_wait3A_143] : memref<1000000x128xf32, #tpu.memory_space<hbm>> -> memref<128x128xf32, #tpu.memory_space<hbm>>
      tpu.wait_dma2 semaphore(%arg12 : memref<!tpu.dma_semaphore, #tpu.memory_space<semaphore_mem>>) src(%dma_wait3A_144 : memref<128x128xf32, #tpu.memory_space<hbm>>) dst(%dma_wait3A_141 : memref<128x128xf32, #tpu.memory_space<vmem>>)
      %scan3A_145 = arith.constant 0 : i32
      %scan3A_146 = arith.constant 0 : i32
      %scan3A_147 = arith.constant 128 : i32
      %scan3A_148 = arith.addi %scan3A_146, %scan3A_147 : i32
      %scan3A_149 = arith.constant 2 : i32
      scf.for %scan3A_280 = %scan3A_146 to %scan3A_148 step %scan3A_149  : i32 {
        %get3A = arith.index_cast %scan3A_280 : i32 to index
        %get3A_281 = arith.constant 0 : index
        %get3A_282 = tpu.vector_load %arg7[%get3A, %get3A_281] {strides = array<i32>} : memref<128x128xf32, #tpu.memory_space<vmem>>, vector<1x16xf32>,
        %get3A_283 = vector.shape_cast %get3A_282 : vector<1x16xf32> to vector<16xf32>
        %mul3A_284 = arith.constant 11.3137083 : f32
        %mul3A_285 = vector.broadcast %mul3A_284 : f32 to vector<16xf32>
        %mul3A_286 = arith.mulf %get3A_283, %mul3A_285 : vector<16xf32>
        %swap3A = arith.index_cast %scan3A_280 : i32 to index
        %swap3A_287 = arith.constant 0 : index
        %swap3A_288 = tpu.vector_load %arg7[%swap3A, %swap3A_287] {strides = array<i32>} : memref<128x128xf32, #tpu.memory_space<vmem>>, vector<1x16xf32>,
        %swap3A_289 = vector.shape_cast %swap3A_288 : vector<1x16xf32> to vector<16xf32>
        %swap3A_290 = vector.shape_cast %mul3A_286 : vector<16xf32> to vector<1x16xf32>
        tpu.vector_store %arg7[%swap3A, %swap3A_287], %swap3A_290 {strides = array<i32>} : memref<128x128xf32, #tpu.memory_space<vmem>>, vector<1x16xf32>,
        %get3A_291 = arith.index_cast %scan3A_280 : i32 to index
        %get3A_292 = arith.constant 16 : index
        %get3A_293 = tpu.vector_load %arg7[%get3A_291, %get3A_292] {strides = array<i32>} : memref<128x128xf32, #tpu.memory_space<vmem>>, vector<1x16xf32>,
        %get3A_294 = vector.shape_cast %get3A_293 : vector<1x16xf32> to vector<16xf32>
        %mul3A_295 = arith.constant 11.3137083 : f32
        %mul3A_296 = vector.broadcast %mul3A_295 : f32 to vector<16xf32>
        %mul3A_297 = arith.mulf %get3A_294, %mul3A_296 : vector<16xf32>
        %swap3A_298 = arith.index_cast %scan3A_280 : i32 to index
        %swap3A_299 = arith.constant 16 : index
        %swap3A_300 = tpu.vector_load %arg7[%swap3A_298, %swap3A_299] {strides = array<i32>} : memref<128x128xf32, #tpu.memory_space<vmem>>, vector<1x16xf32>,
        %swap3A_301 = vector.shape_cast %swap3A_300 : vector<1x16xf32> to vector<16xf32>
        %swap3A_302 = vector.shape_cast %mul3A_297 : vector<16xf32> to vector<1x16xf32>
        tpu.vector_store %arg7[%swap3A_298, %swap3A_299], %swap3A_302 {strides = array<i32>} : memref<128x128xf32, #tpu.memory_space<vmem>>, vector<1x16xf32>,
        %get3A_303 = arith.index_cast %scan3A_280 : i32 to index
        %get3A_304 = arith.constant 32 : index
        %get3A_305 = tpu.vector_load %arg7[%get3A_303, %get3A_304] {strides = array<i32>} : memref<128x128xf32, #tpu.memory_space<vmem>>, vector<1x16xf32>,
        %get3A_306 = vector.shape_cast %get3A_305 : vector<1x16xf32> to vector<16xf32>
        %mul3A_307 = arith.constant 11.3137083 : f32
        %mul3A_308 = vector.broadcast %mul3A_307 : f32 to vector<16xf32>
        %mul3A_309 = arith.mulf %get3A_306, %mul3A_308 : vector<16xf32>
        %swap3A_310 = arith.index_cast %scan3A_280 : i32 to index
        %swap3A_311 = arith.constant 32 : index
        %swap3A_312 = tpu.vector_load %arg7[%swap3A_310, %swap3A_311] {strides = array<i32>} : memref<128x128xf32, #tpu.memory_space<vmem>>, vector<1x16xf32>,
        %swap3A_313 = vector.shape_cast %swap3A_312 : vector<1x16xf32> to vector<16xf32>
        %swap3A_314 = vector.shape_cast %mul3A_309 : vector<16xf32> to vector<1x16xf32>
        tpu.vector_store %arg7[%swap3A_310, %swap3A_311], %swap3A_314 {strides = array<i32>} : memref<128x128xf32, #tpu.memory_space<vmem>>, vector<1x16xf32>,
        %get3A_315 = arith.index_cast %scan3A_280 : i32 to index
        %get3A_316 = arith.constant 48 : index
        %get3A_317 = tpu.vector_load %arg7[%get3A_315, %get3A_316] {strides = array<i32>} : memref<128x128xf32, #tpu.memory_space<vmem>>, vector<1x16xf32>,
        %get3A_318 = vector.shape_cast %get3A_317 : vector<1x16xf32> to vector<16xf32>
        %mul3A_319 = arith.constant 11.3137083 : f32
        %mul3A_320 = vector.broadcast %mul3A_319 : f32 to vector<16xf32>
        %mul3A_321 = arith.mulf %get3A_318, %mul3A_320 : vector<16xf32>
        %swap3A_322 = arith.index_cast %scan3A_280 : i32 to index
        %swap3A_323 = arith.constant 48 : index
        %swap3A_324 = tpu.vector_load %arg7[%swap3A_322, %swap3A_323] {strides = array<i32>} : memref<128x128xf32, #tpu.memory_space<vmem>>, vector<1x16xf32>,
        %swap3A_325 = vector.shape_cast %swap3A_324 : vector<1x16xf32> to vector<16xf32>
        %swap3A_326 = vector.shape_cast %mul3A_321 : vector<16xf32> to vector<1x16xf32>
        tpu.vector_store %arg7[%swap3A_322, %swap3A_323], %swap3A_326 {strides = array<i32>} : memref<128x128xf32, #tpu.memory_space<vmem>>, vector<1x16xf32>,
        %get3A_327 = arith.index_cast %scan3A_280 : i32 to index
        %get3A_328 = arith.constant 64 : index
        %get3A_329 = tpu.vector_load %arg7[%get3A_327, %get3A_328] {strides = array<i32>} : memref<128x128xf32, #tpu.memory_space<vmem>>, vector<1x16xf32>,
        %get3A_330 = vector.shape_cast %get3A_329 : vector<1x16xf32> to vector<16xf32>
        %mul3A_331 = arith.constant 11.3137083 : f32
        %mul3A_332 = vector.broadcast %mul3A_331 : f32 to vector<16xf32>
        %mul3A_333 = arith.mulf %get3A_330, %mul3A_332 : vector<16xf32>
        %swap3A_334 = arith.index_cast %scan3A_280 : i32 to index
        %swap3A_335 = arith.constant 64 : index
        %swap3A_336 = tpu.vector_load %arg7[%swap3A_334, %swap3A_335] {strides = array<i32>} : memref<128x128xf32, #tpu.memory_space<vmem>>, vector<1x16xf32>,
        %swap3A_337 = vector.shape_cast %swap3A_336 : vector<1x16xf32> to vector<16xf32>
        %swap3A_338 = vector.shape_cast %mul3A_333 : vector<16xf32> to vector<1x16xf32>
        tpu.vector_store %arg7[%swap3A_334, %swap3A_335], %swap3A_338 {strides = array<i32>} : memref<128x128xf32, #tpu.memory_space<vmem>>, vector<1x16xf32>,
        %get3A_339 = arith.index_cast %scan3A_280 : i32 to index
        %get3A_340 = arith.constant 80 : index
        %get3A_341 = tpu.vector_load %arg7[%get3A_339, %get3A_340] {strides = array<i32>} : memref<128x128xf32, #tpu.memory_space<vmem>>, vector<1x16xf32>,
        %get3A_342 = vector.shape_cast %get3A_341 : vector<1x16xf32> to vector<16xf32>
        %mul3A_343 = arith.constant 11.3137083 : f32
        %mul3A_344 = vector.broadcast %mul3A_343 : f32 to vector<16xf32>
        %mul3A_345 = arith.mulf %get3A_342, %mul3A_344 : vector<16xf32>
        %swap3A_346 = arith.index_cast %scan3A_280 : i32 to index
        %swap3A_347 = arith.constant 80 : index
        %swap3A_348 = tpu.vector_load %arg7[%swap3A_346, %swap3A_347] {strides = array<i32>} : memref<128x128xf32, #tpu.memory_space<vmem>>, vector<1x16xf32>,
        %swap3A_349 = vector.shape_cast %swap3A_348 : vector<1x16xf32> to vector<16xf32>
        %swap3A_350 = vector.shape_cast %mul3A_345 : vector<16xf32> to vector<1x16xf32>
        tpu.vector_store %arg7[%swap3A_346, %swap3A_347], %swap3A_350 {strides = array<i32>} : memref<128x128xf32, #tpu.memory_space<vmem>>, vector<1x16xf32>,
        %get3A_351 = arith.index_cast %scan3A_280 : i32 to index
        %get3A_352 = arith.constant 96 : index
        %get3A_353 = tpu.vector_load %arg7[%get3A_351, %get3A_352] {strides = array<i32>} : memref<128x128xf32, #tpu.memory_space<vmem>>, vector<1x16xf32>,
        %get3A_354 = vector.shape_cast %get3A_353 : vector<1x16xf32> to vector<16xf32>
        %mul3A_355 = arith.constant 11.3137083 : f32
        %mul3A_356 = vector.broadcast %mul3A_355 : f32 to vector<16xf32>
        %mul3A_357 = arith.mulf %get3A_354, %mul3A_356 : vector<16xf32>
        %swap3A_358 = arith.index_cast %scan3A_280 : i32 to index
        %swap3A_359 = arith.constant 96 : index
        %swap3A_360 = tpu.vector_load %arg7[%swap3A_358, %swap3A_359] {strides = array<i32>} : memref<128x128xf32, #tpu.memory_space<vmem>>, vector<1x16xf32>,
        %swap3A_361 = vector.shape_cast %swap3A_360 : vector<1x16xf32> to vector<16xf32>
        %swap3A_362 = vector.shape_cast %mul3A_357 : vector<16xf32> to vector<1x16xf32>
        tpu.vector_store %arg7[%swap3A_358, %swap3A_359], %swap3A_362 {strides = array<i32>} : memref<128x128xf32, #tpu.memory_space<vmem>>, vector<1x16xf32>,
        %get3A_363 = arith.index_cast %scan3A_280 : i32 to index
        %get3A_364 = arith.constant 112 : index
        %get3A_365 = tpu.vector_load %arg7[%get3A_363, %get3A_364] {strides = array<i32>} : memref<128x128xf32, #tpu.memory_space<vmem>>, vector<1x16xf32>,
        %get3A_366 = vector.shape_cast %get3A_365 : vector<1x16xf32> to vector<16xf32>
        %mul3A_367 = arith.constant 11.3137083 : f32
        %mul3A_368 = vector.broadcast %mul3A_367 : f32 to vector<16xf32>
        %mul3A_369 = arith.mulf %get3A_366, %mul3A_368 : vector<16xf32>
        %swap3A_370 = arith.index_cast %scan3A_280 : i32 to index
        %swap3A_371 = arith.constant 112 : index
        %swap3A_372 = tpu.vector_load %arg7[%swap3A_370, %swap3A_371] {strides = array<i32>} : memref<128x128xf32, #tpu.memory_space<vmem>>, vector<1x16xf32>,
        %swap3A_373 = vector.shape_cast %swap3A_372 : vector<1x16xf32> to vector<16xf32>
        %swap3A_374 = vector.shape_cast %mul3A_369 : vector<16xf32> to vector<1x16xf32>
        tpu.vector_store %arg7[%swap3A_370, %swap3A_371], %swap3A_374 {strides = array<i32>} : memref<128x128xf32, #tpu.memory_space<vmem>>, vector<1x16xf32>,
        %scan3A_375 = arith.constant 1 : i32
        %scan3A_376 = arith.addi %scan3A_280, %scan3A_375 : i32
        %get3A_377 = arith.index_cast %scan3A_376 : i32 to index
        %get3A_378 = arith.constant 0 : index
        %get3A_379 = tpu.vector_load %arg7[%get3A_377, %get3A_378] {strides = array<i32>} : memref<128x128xf32, #tpu.memory_space<vmem>>, vector<1x16xf32>,
        %get3A_380 = vector.shape_cast %get3A_379 : vector<1x16xf32> to vector<16xf32>
        %mul3A_381 = arith.constant 11.3137083 : f32
        %mul3A_382 = vector.broadcast %mul3A_381 : f32 to vector<16xf32>
        %mul3A_383 = arith.mulf %get3A_380, %mul3A_382 : vector<16xf32>
        %swap3A_384 = arith.index_cast %scan3A_376 : i32 to index
        %swap3A_385 = arith.constant 0 : index
        %swap3A_386 = tpu.vector_load %arg7[%swap3A_384, %swap3A_385] {strides = array<i32>} : memref<128x128xf32, #tpu.memory_space<vmem>>, vector<1x16xf32>,
        %swap3A_387 = vector.shape_cast %swap3A_386 : vector<1x16xf32> to vector<16xf32>
        %swap3A_388 = vector.shape_cast %mul3A_383 : vector<16xf32> to vector<1x16xf32>
        tpu.vector_store %arg7[%swap3A_384, %swap3A_385], %swap3A_388 {strides = array<i32>} : memref<128x128xf32, #tpu.memory_space<vmem>>, vector<1x16xf32>,
        %get3A_389 = arith.index_cast %scan3A_376 : i32 to index
        %get3A_390 = arith.constant 16 : index
        %get3A_391 = tpu.vector_load %arg7[%get3A_389, %get3A_390] {strides = array<i32>} : memref<128x128xf32, #tpu.memory_space<vmem>>, vector<1x16xf32>,
        %get3A_392 = vector.shape_cast %get3A_391 : vector<1x16xf32> to vector<16xf32>
        %mul3A_393 = arith.constant 11.3137083 : f32
        %mul3A_394 = vector.broadcast %mul3A_393 : f32 to vector<16xf32>
        %mul3A_395 = arith.mulf %get3A_392, %mul3A_394 : vector<16xf32>
        %swap3A_396 = arith.index_cast %scan3A_376 : i32 to index
        %swap3A_397 = arith.constant 16 : index
        %swap3A_398 = tpu.vector_load %arg7[%swap3A_396, %swap3A_397] {strides = array<i32>} : memref<128x128xf32, #tpu.memory_space<vmem>>, vector<1x16xf32>,
        %swap3A_399 = vector.shape_cast %swap3A_398 : vector<1x16xf32> to vector<16xf32>
        %swap3A_400 = vector.shape_cast %mul3A_395 : vector<16xf32> to vector<1x16xf32>
        tpu.vector_store %arg7[%swap3A_396, %swap3A_397], %swap3A_400 {strides = array<i32>} : memref<128x128xf32, #tpu.memory_space<vmem>>, vector<1x16xf32>,
        %get3A_401 = arith.index_cast %scan3A_376 : i32 to index
        %get3A_402 = arith.constant 32 : index
        %get3A_403 = tpu.vector_load %arg7[%get3A_401, %get3A_402] {strides = array<i32>} : memref<128x128xf32, #tpu.memory_space<vmem>>, vector<1x16xf32>,
        %get3A_404 = vector.shape_cast %get3A_403 : vector<1x16xf32> to vector<16xf32>
        %mul3A_405 = arith.constant 11.3137083 : f32
        %mul3A_406 = vector.broadcast %mul3A_405 : f32 to vector<16xf32>
        %mul3A_407 = arith.mulf %get3A_404, %mul3A_406 : vector<16xf32>
        %swap3A_408 = arith.index_cast %scan3A_376 : i32 to index
        %swap3A_409 = arith.constant 32 : index
        %swap3A_410 = tpu.vector_load %arg7[%swap3A_408, %swap3A_409] {strides = array<i32>} : memref<128x128xf32, #tpu.memory_space<vmem>>, vector<1x16xf32>,
        %swap3A_411 = vector.shape_cast %swap3A_410 : vector<1x16xf32> to vector<16xf32>
        %swap3A_412 = vector.shape_cast %mul3A_407 : vector<16xf32> to vector<1x16xf32>
        tpu.vector_store %arg7[%swap3A_408, %swap3A_409], %swap3A_412 {strides = array<i32>} : memref<128x128xf32, #tpu.memory_space<vmem>>, vector<1x16xf32>,
        %get3A_413 = arith.index_cast %scan3A_376 : i32 to index
        %get3A_414 = arith.constant 48 : index
        %get3A_415 = tpu.vector_load %arg7[%get3A_413, %get3A_414] {strides = array<i32>} : memref<128x128xf32, #tpu.memory_space<vmem>>, vector<1x16xf32>,
        %get3A_416 = vector.shape_cast %get3A_415 : vector<1x16xf32> to vector<16xf32>
        %mul3A_417 = arith.constant 11.3137083 : f32
        %mul3A_418 = vector.broadcast %mul3A_417 : f32 to vector<16xf32>
        %mul3A_419 = arith.mulf %get3A_416, %mul3A_418 : vector<16xf32>
        %swap3A_420 = arith.index_cast %scan3A_376 : i32 to index
        %swap3A_421 = arith.constant 48 : index
        %swap3A_422 = tpu.vector_load %arg7[%swap3A_420, %swap3A_421] {strides = array<i32>} : memref<128x128xf32, #tpu.memory_space<vmem>>, vector<1x16xf32>,
        %swap3A_423 = vector.shape_cast %swap3A_422 : vector<1x16xf32> to vector<16xf32>
        %swap3A_424 = vector.shape_cast %mul3A_419 : vector<16xf32> to vector<1x16xf32>
        tpu.vector_store %arg7[%swap3A_420, %swap3A_421], %swap3A_424 {strides = array<i32>} : memref<128x128xf32, #tpu.memory_space<vmem>>, vector<1x16xf32>,
        %get3A_425 = arith.index_cast %scan3A_376 : i32 to index
        %get3A_426 = arith.constant 64 : index
        %get3A_427 = tpu.vector_load %arg7[%get3A_425, %get3A_426] {strides = array<i32>} : memref<128x128xf32, #tpu.memory_space<vmem>>, vector<1x16xf32>,
        %get3A_428 = vector.shape_cast %get3A_427 : vector<1x16xf32> to vector<16xf32>
        %mul3A_429 = arith.constant 11.3137083 : f32
        %mul3A_430 = vector.broadcast %mul3A_429 : f32 to vector<16xf32>
        %mul3A_431 = arith.mulf %get3A_428, %mul3A_430 : vector<16xf32>
        %swap3A_432 = arith.index_cast %scan3A_376 : i32 to index
        %swap3A_433 = arith.constant 64 : index
        %swap3A_434 = tpu.vector_load %arg7[%swap3A_432, %swap3A_433] {strides = array<i32>} : memref<128x128xf32, #tpu.memory_space<vmem>>, vector<1x16xf32>,
        %swap3A_435 = vector.shape_cast %swap3A_434 : vector<1x16xf32> to vector<16xf32>
        %swap3A_436 = vector.shape_cast %mul3A_431 : vector<16xf32> to vector<1x16xf32>
        tpu.vector_store %arg7[%swap3A_432, %swap3A_433], %swap3A_436 {strides = array<i32>} : memref<128x128xf32, #tpu.memory_space<vmem>>, vector<1x16xf32>,
        %get3A_437 = arith.index_cast %scan3A_376 : i32 to index
        %get3A_438 = arith.constant 80 : index
        %get3A_439 = tpu.vector_load %arg7[%get3A_437, %get3A_438] {strides = array<i32>} : memref<128x128xf32, #tpu.memory_space<vmem>>, vector<1x16xf32>,
        %get3A_440 = vector.shape_cast %get3A_439 : vector<1x16xf32> to vector<16xf32>
        %mul3A_441 = arith.constant 11.3137083 : f32
        %mul3A_442 = vector.broadcast %mul3A_441 : f32 to vector<16xf32>
        %mul3A_443 = arith.mulf %get3A_440, %mul3A_442 : vector<16xf32>
        %swap3A_444 = arith.index_cast %scan3A_376 : i32 to index
        %swap3A_445 = arith.constant 80 : index
        %swap3A_446 = tpu.vector_load %arg7[%swap3A_444, %swap3A_445] {strides = array<i32>} : memref<128x128xf32, #tpu.memory_space<vmem>>, vector<1x16xf32>,
        %swap3A_447 = vector.shape_cast %swap3A_446 : vector<1x16xf32> to vector<16xf32>
        %swap3A_448 = vector.shape_cast %mul3A_443 : vector<16xf32> to vector<1x16xf32>
        tpu.vector_store %arg7[%swap3A_444, %swap3A_445], %swap3A_448 {strides = array<i32>} : memref<128x128xf32, #tpu.memory_space<vmem>>, vector<1x16xf32>,
        %get3A_449 = arith.index_cast %scan3A_376 : i32 to index
        %get3A_450 = arith.constant 96 : index
        %get3A_451 = tpu.vector_load %arg7[%get3A_449, %get3A_450] {strides = array<i32>} : memref<128x128xf32, #tpu.memory_space<vmem>>, vector<1x16xf32>,
        %get3A_452 = vector.shape_cast %get3A_451 : vector<1x16xf32> to vector<16xf32>
        %mul3A_453 = arith.constant 11.3137083 : f32
        %mul3A_454 = vector.broadcast %mul3A_453 : f32 to vector<16xf32>
        %mul3A_455 = arith.mulf %get3A_452, %mul3A_454 : vector<16xf32>
        %swap3A_456 = arith.index_cast %scan3A_376 : i32 to index
        %swap3A_457 = arith.constant 96 : index
        %swap3A_458 = tpu.vector_load %arg7[%swap3A_456, %swap3A_457] {strides = array<i32>} : memref<128x128xf32, #tpu.memory_space<vmem>>, vector<1x16xf32>,
        %swap3A_459 = vector.shape_cast %swap3A_458 : vector<1x16xf32> to vector<16xf32>
        %swap3A_460 = vector.shape_cast %mul3A_455 : vector<16xf32> to vector<1x16xf32>
        tpu.vector_store %arg7[%swap3A_456, %swap3A_457], %swap3A_460 {strides = array<i32>} : memref<128x128xf32, #tpu.memory_space<vmem>>, vector<1x16xf32>,
        %get3A_461 = arith.index_cast %scan3A_376 : i32 to index
        %get3A_462 = arith.constant 112 : index
        %get3A_463 = tpu.vector_load %arg7[%get3A_461, %get3A_462] {strides = array<i32>} : memref<128x128xf32, #tpu.memory_space<vmem>>, vector<1x16xf32>,
        %get3A_464 = vector.shape_cast %get3A_463 : vector<1x16xf32> to vector<16xf32>
        %mul3A_465 = arith.constant 11.3137083 : f32
        %mul3A_466 = vector.broadcast %mul3A_465 : f32 to vector<16xf32>
        %mul3A_467 = arith.mulf %get3A_464, %mul3A_466 : vector<16xf32>
        %swap3A_468 = arith.index_cast %scan3A_376 : i32 to index
        %swap3A_469 = arith.constant 112 : index
        %swap3A_470 = tpu.vector_load %arg7[%swap3A_468, %swap3A_469] {strides = array<i32>} : memref<128x128xf32, #tpu.memory_space<vmem>>, vector<1x16xf32>,
        %swap3A_471 = vector.shape_cast %swap3A_470 : vector<1x16xf32> to vector<16xf32>
        %swap3A_472 = vector.shape_cast %mul3A_467 : vector<16xf32> to vector<1x16xf32>
        tpu.vector_store %arg7[%swap3A_468, %swap3A_469], %swap3A_472 {strides = array<i32>} : memref<128x128xf32, #tpu.memory_space<vmem>>, vector<1x16xf32>,
      }
      %scan3A_150 = arith.constant 128 : i32
      %mul3A_151 = arith.constant 6400 : i32
      %mul3A_152 = arith.muli %add3A, %mul3A_151 : i32
      %mul3A_153 = arith.constant 128 : i32
      %mul3A_154 = arith.muli %add3A_123, %mul3A_153 : i32
      %add3A_155 = arith.addi %mul3A_152, %mul3A_154 : i32
      %dma_start3A_156 = arith.constant 0 : i32
      %dma_start3A_157 = tpu.memref_slice %arg4[%add3A_155, %dma_start3A_156] : memref<204800x128xf32, #tpu.memory_space<hbm>> -> memref<128x128xf32, #tpu.memory_space<hbm>>
      %dma_start3A_158 = arith.constant 0 : i32
      %dma_start3A_159 = tpu.memref_slice %arg4[%add3A_155, %dma_start3A_158] : memref<204800x128xf32, #tpu.memory_space<hbm>> -> memref<128x128xf32, #tpu.memory_space<hbm>>
      tpu.enqueue_dma source(%arg7 : memref<128x128xf32, #tpu.memory_space<vmem>>) target(%dma_start3A_159 : memref<128x128xf32, #tpu.memory_space<hbm>>) target_semaphore(%arg17 : memref<!tpu.dma_semaphore, #tpu.memory_space<semaphore_mem>>)
      %mul3A_160 = arith.constant 5 : i32
      %mul3A_161 = arith.muli %scan3A_82, %mul3A_160 : i32
      %add3A_162 = arith.constant 2 : i32
      %add3A_163 = arith.addi %mul3A_161, %add3A_162 : i32
      %add3A_164 = arith.constant 1 : i32
      %add3A_165 = arith.addi %scan3A_82, %add3A_164 : i32
      %add3A_166 = arith.constant 4 : i32
      %add3A_167 = arith.addi %add3A_163, %add3A_166 : i32
      %lt3A_168 = arith.constant 50 : i32
      %lt3A_169 = arith.cmpi slt, %add3A_167, %lt3A_168 : i32
      %convert_element_type3A_170 = arith.extui %lt3A_169 : i1 to i32
      %cond3A_171 = arith.constant 0 : i32
      %cond3A_172 = arith.cmpi ne, %convert_element_type3A_170, %cond3A_171 : i32
      scf.if %cond3A_172 {
        %ge3A = arith.constant 5 : i32
        %ge3A_280 = arith.cmpi sge, %add3A_167, %ge3A : i32
        %convert_element_type3A_281 = arith.extui %ge3A_280 : i1 to i32
        %cond3A_282 = arith.constant 0 : i32
        %cond3A_283 = arith.cmpi ne, %convert_element_type3A_281, %cond3A_282 : i32
        scf.if %cond3A_283 {
          %dma_wait3A_295 = arith.constant 0 : i32
          %dma_wait3A_296 = arith.constant 0 : i32
          %dma_wait3A_297 = tpu.memref_slice %arg4[%dma_wait3A_295, %dma_wait3A_296] : memref<204800x128xf32, #tpu.memory_space<hbm>> -> memref<128x128xf32, #tpu.memory_space<hbm>>
          %dma_wait3A_298 = arith.constant 0 : i32
          %dma_wait3A_299 = arith.constant 0 : i32
          %dma_wait3A_300 = tpu.memref_slice %arg4[%dma_wait3A_298, %dma_wait3A_299] : memref<204800x128xf32, #tpu.memory_space<hbm>> -> memref<128x128xf32, #tpu.memory_space<hbm>>
          tpu.wait_dma2 semaphore(%arg17 : memref<!tpu.dma_semaphore, #tpu.memory_space<semaphore_mem>>) src(%arg7 : memref<128x128xf32, #tpu.memory_space<vmem>>) dst(%dma_wait3A_300 : memref<128x128xf32, #tpu.memory_space<hbm>>)
        } else {
        }
        %dma_start3A_284 = arith.constant 1 : i32
        %dma_start3A_285 = arith.constant 0 : i32
        %dma_start3A_286 = arith.constant 0 : i32
        %dma_start3A_287 = arith.constant 0 : i32
        %dma_start3A_288 = tpu.memref_slice %arg7[%dma_start3A_286, %dma_start3A_287] : memref<128x128xf32, #tpu.memory_space<vmem>> -> memref<128x128xf32, #tpu.memory_space<vmem>>
        %dma_start3A_289 = arith.constant 0 : i32
        %dma_start3A_290 = tpu.memref_slice %arg5[%add3A_165, %dma_start3A_284, %dma_start3A_285, %dma_start3A_289] : memref<10x5x1x128xi32, #tpu.memory_space<vmem>> -> memref<1x1x1x128xi32, #tpu.memory_space<vmem>>
        %dma_start3A_291 = tpu.memref_squeeze %dma_start3A_290 : memref<1x1x1x128xi32, #tpu.memory_space<vmem>> -> memref<128xi32, #tpu.memory_space<vmem>>
        %dma_start3A_292 = arith.constant 0 : i32
        %dma_start3A_293 = arith.constant 0 : i32
        %dma_start3A_294 = tpu.memref_slice %arg3[%dma_start3A_292, %dma_start3A_293] : memref<1000000x128xf32, #tpu.memory_space<hbm>> -> memref<1000000x128xf32, #tpu.memory_space<hbm>>
        tpu.enqueue_indirect_dma source(%dma_start3A_294 : memref<1000000x128xf32, #tpu.memory_space<hbm>>) target(%dma_start3A_288 : memref<128x128xf32, #tpu.memory_space<vmem>>) offsets(%dma_start3A_291 : memref<128xi32, #tpu.memory_space<vmem>>) semaphore(%arg12 : memref<!tpu.dma_semaphore, #tpu.memory_space<semaphore_mem>>)
      } else {
      }
      %dma_wait3A_173 = arith.constant 0 : i32
      %dma_wait3A_174 = arith.constant 0 : i32
      %dma_wait3A_175 = tpu.memref_slice %arg8[%dma_wait3A_173, %dma_wait3A_174] : memref<128x128xf32, #tpu.memory_space<vmem>> -> memref<128x128xf32, #tpu.memory_space<vmem>>
      %dma_wait3A_176 = arith.constant 0 : i32
      %dma_wait3A_177 = arith.constant 0 : i32
      %dma_wait3A_178 = tpu.memref_slice %arg3[%dma_wait3A_176, %dma_wait3A_177] : memref<1000000x128xf32, #tpu.memory_space<hbm>> -> memref<128x128xf32, #tpu.memory_space<hbm>>
      %dma_wait3A_179 = arith.constant 0 : i32
      %dma_wait3A_180 = arith.constant 0 : i32
      %dma_wait3A_181 = tpu.memref_slice %arg8[%dma_wait3A_179, %dma_wait3A_180] : memref<128x128xf32, #tpu.memory_space<vmem>> -> memref<128x128xf32, #tpu.memory_space<vmem>>
      %dma_wait3A_182 = arith.constant 0 : i32
      %dma_wait3A_183 = arith.constant 0 : i32
      %dma_wait3A_184 = tpu.memref_slice %arg3[%dma_wait3A_182, %dma_wait3A_183] : memref<1000000x128xf32, #tpu.memory_space<hbm>> -> memref<128x128xf32, #tpu.memory_space<hbm>>
      tpu.wait_dma2 semaphore(%arg13 : memref<!tpu.dma_semaphore, #tpu.memory_space<semaphore_mem>>) src(%dma_wait3A_184 : memref<128x128xf32, #tpu.memory_space<hbm>>) dst(%dma_wait3A_181 : memref<128x128xf32, #tpu.memory_space<vmem>>)
      %scan3A_185 = arith.constant 0 : i32
      %scan3A_186 = arith.constant 0 : i32
      %scan3A_187 = arith.constant 128 : i32
      %scan3A_188 = arith.addi %scan3A_186, %scan3A_187 : i32
      %scan3A_189 = arith.constant 2 : i32
      scf.for %scan3A_280 = %scan3A_186 to %scan3A_188 step %scan3A_189  : i32 {
        %get3A = arith.index_cast %scan3A_280 : i32 to index
        %get3A_281 = arith.constant 0 : index
        %get3A_282 = tpu.vector_load %arg8[%get3A, %get3A_281] {strides = array<i32>} : memref<128x128xf32, #tpu.memory_space<vmem>>, vector<1x16xf32>,
        %get3A_283 = vector.shape_cast %get3A_282 : vector<1x16xf32> to vector<16xf32>
        %mul3A_284 = arith.constant 11.3137083 : f32
        %mul3A_285 = vector.broadcast %mul3A_284 : f32 to vector<16xf32>
        %mul3A_286 = arith.mulf %get3A_283, %mul3A_285 : vector<16xf32>
        %swap3A = arith.index_cast %scan3A_280 : i32 to index
        %swap3A_287 = arith.constant 0 : index
        %swap3A_288 = tpu.vector_load %arg8[%swap3A, %swap3A_287] {strides = array<i32>} : memref<128x128xf32, #tpu.memory_space<vmem>>, vector<1x16xf32>,
        %swap3A_289 = vector.shape_cast %swap3A_288 : vector<1x16xf32> to vector<16xf32>
        %swap3A_290 = vector.shape_cast %mul3A_286 : vector<16xf32> to vector<1x16xf32>
        tpu.vector_store %arg8[%swap3A, %swap3A_287], %swap3A_290 {strides = array<i32>} : memref<128x128xf32, #tpu.memory_space<vmem>>, vector<1x16xf32>,
        %get3A_291 = arith.index_cast %scan3A_280 : i32 to index
        %get3A_292 = arith.constant 16 : index
        %get3A_293 = tpu.vector_load %arg8[%get3A_291, %get3A_292] {strides = array<i32>} : memref<128x128xf32, #tpu.memory_space<vmem>>, vector<1x16xf32>,
        %get3A_294 = vector.shape_cast %get3A_293 : vector<1x16xf32> to vector<16xf32>
        %mul3A_295 = arith.constant 11.3137083 : f32
        %mul3A_296 = vector.broadcast %mul3A_295 : f32 to vector<16xf32>
        %mul3A_297 = arith.mulf %get3A_294, %mul3A_296 : vector<16xf32>
        %swap3A_298 = arith.index_cast %scan3A_280 : i32 to index
        %swap3A_299 = arith.constant 16 : index
        %swap3A_300 = tpu.vector_load %arg8[%swap3A_298, %swap3A_299] {strides = array<i32>} : memref<128x128xf32, #tpu.memory_space<vmem>>, vector<1x16xf32>,
        %swap3A_301 = vector.shape_cast %swap3A_300 : vector<1x16xf32> to vector<16xf32>
        %swap3A_302 = vector.shape_cast %mul3A_297 : vector<16xf32> to vector<1x16xf32>
        tpu.vector_store %arg8[%swap3A_298, %swap3A_299], %swap3A_302 {strides = array<i32>} : memref<128x128xf32, #tpu.memory_space<vmem>>, vector<1x16xf32>,
        %get3A_303 = arith.index_cast %scan3A_280 : i32 to index
        %get3A_304 = arith.constant 32 : index
        %get3A_305 = tpu.vector_load %arg8[%get3A_303, %get3A_304] {strides = array<i32>} : memref<128x128xf32, #tpu.memory_space<vmem>>, vector<1x16xf32>,
        %get3A_306 = vector.shape_cast %get3A_305 : vector<1x16xf32> to vector<16xf32>
        %mul3A_307 = arith.constant 11.3137083 : f32
        %mul3A_308 = vector.broadcast %mul3A_307 : f32 to vector<16xf32>
        %mul3A_309 = arith.mulf %get3A_306, %mul3A_308 : vector<16xf32>
        %swap3A_310 = arith.index_cast %scan3A_280 : i32 to index
        %swap3A_311 = arith.constant 32 : index
        %swap3A_312 = tpu.vector_load %arg8[%swap3A_310, %swap3A_311] {strides = array<i32>} : memref<128x128xf32, #tpu.memory_space<vmem>>, vector<1x16xf32>,
        %swap3A_313 = vector.shape_cast %swap3A_312 : vector<1x16xf32> to vector<16xf32>
        %swap3A_314 = vector.shape_cast %mul3A_309 : vector<16xf32> to vector<1x16xf32>
        tpu.vector_store %arg8[%swap3A_310, %swap3A_311], %swap3A_314 {strides = array<i32>} : memref<128x128xf32, #tpu.memory_space<vmem>>, vector<1x16xf32>,
        %get3A_315 = arith.index_cast %scan3A_280 : i32 to index
        %get3A_316 = arith.constant 48 : index
        %get3A_317 = tpu.vector_load %arg8[%get3A_315, %get3A_316] {strides = array<i32>} : memref<128x128xf32, #tpu.memory_space<vmem>>, vector<1x16xf32>,
        %get3A_318 = vector.shape_cast %get3A_317 : vector<1x16xf32> to vector<16xf32>
        %mul3A_319 = arith.constant 11.3137083 : f32
        %mul3A_320 = vector.broadcast %mul3A_319 : f32 to vector<16xf32>
        %mul3A_321 = arith.mulf %get3A_318, %mul3A_320 : vector<16xf32>
        %swap3A_322 = arith.index_cast %scan3A_280 : i32 to index
        %swap3A_323 = arith.constant 48 : index
        %swap3A_324 = tpu.vector_load %arg8[%swap3A_322, %swap3A_323] {strides = array<i32>} : memref<128x128xf32, #tpu.memory_space<vmem>>, vector<1x16xf32>,
        %swap3A_325 = vector.shape_cast %swap3A_324 : vector<1x16xf32> to vector<16xf32>
        %swap3A_326 = vector.shape_cast %mul3A_321 : vector<16xf32> to vector<1x16xf32>
        tpu.vector_store %arg8[%swap3A_322, %swap3A_323], %swap3A_326 {strides = array<i32>} : memref<128x128xf32, #tpu.memory_space<vmem>>, vector<1x16xf32>,
        %get3A_327 = arith.index_cast %scan3A_280 : i32 to index
        %get3A_328 = arith.constant 64 : index
        %get3A_329 = tpu.vector_load %arg8[%get3A_327, %get3A_328] {strides = array<i32>} : memref<128x128xf32, #tpu.memory_space<vmem>>, vector<1x16xf32>,
        %get3A_330 = vector.shape_cast %get3A_329 : vector<1x16xf32> to vector<16xf32>
        %mul3A_331 = arith.constant 11.3137083 : f32
        %mul3A_332 = vector.broadcast %mul3A_331 : f32 to vector<16xf32>
        %mul3A_333 = arith.mulf %get3A_330, %mul3A_332 : vector<16xf32>
        %swap3A_334 = arith.index_cast %scan3A_280 : i32 to index
        %swap3A_335 = arith.constant 64 : index
        %swap3A_336 = tpu.vector_load %arg8[%swap3A_334, %swap3A_335] {strides = array<i32>} : memref<128x128xf32, #tpu.memory_space<vmem>>, vector<1x16xf32>,
        %swap3A_337 = vector.shape_cast %swap3A_336 : vector<1x16xf32> to vector<16xf32>
        %swap3A_338 = vector.shape_cast %mul3A_333 : vector<16xf32> to vector<1x16xf32>
        tpu.vector_store %arg8[%swap3A_334, %swap3A_335], %swap3A_338 {strides = array<i32>} : memref<128x128xf32, #tpu.memory_space<vmem>>, vector<1x16xf32>,
        %get3A_339 = arith.index_cast %scan3A_280 : i32 to index
        %get3A_340 = arith.constant 80 : index
        %get3A_341 = tpu.vector_load %arg8[%get3A_339, %get3A_340] {strides = array<i32>} : memref<128x128xf32, #tpu.memory_space<vmem>>, vector<1x16xf32>,
        %get3A_342 = vector.shape_cast %get3A_341 : vector<1x16xf32> to vector<16xf32>
        %mul3A_343 = arith.constant 11.3137083 : f32
        %mul3A_344 = vector.broadcast %mul3A_343 : f32 to vector<16xf32>
        %mul3A_345 = arith.mulf %get3A_342, %mul3A_344 : vector<16xf32>
        %swap3A_346 = arith.index_cast %scan3A_280 : i32 to index
        %swap3A_347 = arith.constant 80 : index
        %swap3A_348 = tpu.vector_load %arg8[%swap3A_346, %swap3A_347] {strides = array<i32>} : memref<128x128xf32, #tpu.memory_space<vmem>>, vector<1x16xf32>,
        %swap3A_349 = vector.shape_cast %swap3A_348 : vector<1x16xf32> to vector<16xf32>
        %swap3A_350 = vector.shape_cast %mul3A_345 : vector<16xf32> to vector<1x16xf32>
        tpu.vector_store %arg8[%swap3A_346, %swap3A_347], %swap3A_350 {strides = array<i32>} : memref<128x128xf32, #tpu.memory_space<vmem>>, vector<1x16xf32>,
        %get3A_351 = arith.index_cast %scan3A_280 : i32 to index
        %get3A_352 = arith.constant 96 : index
        %get3A_353 = tpu.vector_load %arg8[%get3A_351, %get3A_352] {strides = array<i32>} : memref<128x128xf32, #tpu.memory_space<vmem>>, vector<1x16xf32>,
        %get3A_354 = vector.shape_cast %get3A_353 : vector<1x16xf32> to vector<16xf32>
        %mul3A_355 = arith.constant 11.3137083 : f32
        %mul3A_356 = vector.broadcast %mul3A_355 : f32 to vector<16xf32>
        %mul3A_357 = arith.mulf %get3A_354, %mul3A_356 : vector<16xf32>
        %swap3A_358 = arith.index_cast %scan3A_280 : i32 to index
        %swap3A_359 = arith.constant 96 : index
        %swap3A_360 = tpu.vector_load %arg8[%swap3A_358, %swap3A_359] {strides = array<i32>} : memref<128x128xf32, #tpu.memory_space<vmem>>, vector<1x16xf32>,
        %swap3A_361 = vector.shape_cast %swap3A_360 : vector<1x16xf32> to vector<16xf32>
        %swap3A_362 = vector.shape_cast %mul3A_357 : vector<16xf32> to vector<1x16xf32>
        tpu.vector_store %arg8[%swap3A_358, %swap3A_359], %swap3A_362 {strides = array<i32>} : memref<128x128xf32, #tpu.memory_space<vmem>>, vector<1x16xf32>,
        %get3A_363 = arith.index_cast %scan3A_280 : i32 to index
        %get3A_364 = arith.constant 112 : index
        %get3A_365 = tpu.vector_load %arg8[%get3A_363, %get3A_364] {strides = array<i32>} : memref<128x128xf32, #tpu.memory_space<vmem>>, vector<1x16xf32>,
        %get3A_366 = vector.shape_cast %get3A_365 : vector<1x16xf32> to vector<16xf32>
        %mul3A_367 = arith.constant 11.3137083 : f32
        %mul3A_368 = vector.broadcast %mul3A_367 : f32 to vector<16xf32>
        %mul3A_369 = arith.mulf %get3A_366, %mul3A_368 : vector<16xf32>
        %swap3A_370 = arith.index_cast %scan3A_280 : i32 to index
        %swap3A_371 = arith.constant 112 : index
        %swap3A_372 = tpu.vector_load %arg8[%swap3A_370, %swap3A_371] {strides = array<i32>} : memref<128x128xf32, #tpu.memory_space<vmem>>, vector<1x16xf32>,
        %swap3A_373 = vector.shape_cast %swap3A_372 : vector<1x16xf32> to vector<16xf32>
        %swap3A_374 = vector.shape_cast %mul3A_369 : vector<16xf32> to vector<1x16xf32>
        tpu.vector_store %arg8[%swap3A_370, %swap3A_371], %swap3A_374 {strides = array<i32>} : memref<128x128xf32, #tpu.memory_space<vmem>>, vector<1x16xf32>,
        %scan3A_375 = arith.constant 1 : i32
        %scan3A_376 = arith.addi %scan3A_280, %scan3A_375 : i32
        %get3A_377 = arith.index_cast %scan3A_376 : i32 to index
        %get3A_378 = arith.constant 0 : index
        %get3A_379 = tpu.vector_load %arg8[%get3A_377, %get3A_378] {strides = array<i32>} : memref<128x128xf32, #tpu.memory_space<vmem>>, vector<1x16xf32>,
        %get3A_380 = vector.shape_cast %get3A_379 : vector<1x16xf32> to vector<16xf32>
        %mul3A_381 = arith.constant 11.3137083 : f32
        %mul3A_382 = vector.broadcast %mul3A_381 : f32 to vector<16xf32>
        %mul3A_383 = arith.mulf %get3A_380, %mul3A_382 : vector<16xf32>
        %swap3A_384 = arith.index_cast %scan3A_376 : i32 to index
        %swap3A_385 = arith.constant 0 : index
        %swap3A_386 = tpu.vector_load %arg8[%swap3A_384, %swap3A_385] {strides = array<i32>} : memref<128x128xf32, #tpu.memory_space<vmem>>, vector<1x16xf32>,
        %swap3A_387 = vector.shape_cast %swap3A_386 : vector<1x16xf32> to vector<16xf32>
        %swap3A_388 = vector.shape_cast %mul3A_383 : vector<16xf32> to vector<1x16xf32>
        tpu.vector_store %arg8[%swap3A_384, %swap3A_385], %swap3A_388 {strides = array<i32>} : memref<128x128xf32, #tpu.memory_space<vmem>>, vector<1x16xf32>,
        %get3A_389 = arith.index_cast %scan3A_376 : i32 to index
        %get3A_390 = arith.constant 16 : index
        %get3A_391 = tpu.vector_load %arg8[%get3A_389, %get3A_390] {strides = array<i32>} : memref<128x128xf32, #tpu.memory_space<vmem>>, vector<1x16xf32>,
        %get3A_392 = vector.shape_cast %get3A_391 : vector<1x16xf32> to vector<16xf32>
        %mul3A_393 = arith.constant 11.3137083 : f32
        %mul3A_394 = vector.broadcast %mul3A_393 : f32 to vector<16xf32>
        %mul3A_395 = arith.mulf %get3A_392, %mul3A_394 : vector<16xf32>
        %swap3A_396 = arith.index_cast %scan3A_376 : i32 to index
        %swap3A_397 = arith.constant 16 : index
        %swap3A_398 = tpu.vector_load %arg8[%swap3A_396, %swap3A_397] {strides = array<i32>} : memref<128x128xf32, #tpu.memory_space<vmem>>, vector<1x16xf32>,
        %swap3A_399 = vector.shape_cast %swap3A_398 : vector<1x16xf32> to vector<16xf32>
        %swap3A_400 = vector.shape_cast %mul3A_395 : vector<16xf32> to vector<1x16xf32>
        tpu.vector_store %arg8[%swap3A_396, %swap3A_397], %swap3A_400 {strides = array<i32>} : memref<128x128xf32, #tpu.memory_space<vmem>>, vector<1x16xf32>,
        %get3A_401 = arith.index_cast %scan3A_376 : i32 to index
        %get3A_402 = arith.constant 32 : index
        %get3A_403 = tpu.vector_load %arg8[%get3A_401, %get3A_402] {strides = array<i32>} : memref<128x128xf32, #tpu.memory_space<vmem>>, vector<1x16xf32>,
        %get3A_404 = vector.shape_cast %get3A_403 : vector<1x16xf32> to vector<16xf32>
        %mul3A_405 = arith.constant 11.3137083 : f32
        %mul3A_406 = vector.broadcast %mul3A_405 : f32 to vector<16xf32>
        %mul3A_407 = arith.mulf %get3A_404, %mul3A_406 : vector<16xf32>
        %swap3A_408 = arith.index_cast %scan3A_376 : i32 to index
        %swap3A_409 = arith.constant 32 : index
        %swap3A_410 = tpu.vector_load %arg8[%swap3A_408, %swap3A_409] {strides = array<i32>} : memref<128x128xf32, #tpu.memory_space<vmem>>, vector<1x16xf32>,
        %swap3A_411 = vector.shape_cast %swap3A_410 : vector<1x16xf32> to vector<16xf32>
        %swap3A_412 = vector.shape_cast %mul3A_407 : vector<16xf32> to vector<1x16xf32>
        tpu.vector_store %arg8[%swap3A_408, %swap3A_409], %swap3A_412 {strides = array<i32>} : memref<128x128xf32, #tpu.memory_space<vmem>>, vector<1x16xf32>,
        %get3A_413 = arith.index_cast %scan3A_376 : i32 to index
        %get3A_414 = arith.constant 48 : index
        %get3A_415 = tpu.vector_load %arg8[%get3A_413, %get3A_414] {strides = array<i32>} : memref<128x128xf32, #tpu.memory_space<vmem>>, vector<1x16xf32>,
        %get3A_416 = vector.shape_cast %get3A_415 : vector<1x16xf32> to vector<16xf32>
        %mul3A_417 = arith.constant 11.3137083 : f32
        %mul3A_418 = vector.broadcast %mul3A_417 : f32 to vector<16xf32>
        %mul3A_419 = arith.mulf %get3A_416, %mul3A_418 : vector<16xf32>
        %swap3A_420 = arith.index_cast %scan3A_376 : i32 to index
        %swap3A_421 = arith.constant 48 : index
        %swap3A_422 = tpu.vector_load %arg8[%swap3A_420, %swap3A_421] {strides = array<i32>} : memref<128x128xf32, #tpu.memory_space<vmem>>, vector<1x16xf32>,
        %swap3A_423 = vector.shape_cast %swap3A_422 : vector<1x16xf32> to vector<16xf32>
        %swap3A_424 = vector.shape_cast %mul3A_419 : vector<16xf32> to vector<1x16xf32>
        tpu.vector_store %arg8[%swap3A_420, %swap3A_421], %swap3A_424 {strides = array<i32>} : memref<128x128xf32, #tpu.memory_space<vmem>>, vector<1x16xf32>,
        %get3A_425 = arith.index_cast %scan3A_376 : i32 to index
        %get3A_426 = arith.constant 64 : index
        %get3A_427 = tpu.vector_load %arg8[%get3A_425, %get3A_426] {strides = array<i32>} : memref<128x128xf32, #tpu.memory_space<vmem>>, vector<1x16xf32>,
        %get3A_428 = vector.shape_cast %get3A_427 : vector<1x16xf32> to vector<16xf32>
        %mul3A_429 = arith.constant 11.3137083 : f32
        %mul3A_430 = vector.broadcast %mul3A_429 : f32 to vector<16xf32>
        %mul3A_431 = arith.mulf %get3A_428, %mul3A_430 : vector<16xf32>
        %swap3A_432 = arith.index_cast %scan3A_376 : i32 to index
        %swap3A_433 = arith.constant 64 : index
        %swap3A_434 = tpu.vector_load %arg8[%swap3A_432, %swap3A_433] {strides = array<i32>} : memref<128x128xf32, #tpu.memory_space<vmem>>, vector<1x16xf32>,
        %swap3A_435 = vector.shape_cast %swap3A_434 : vector<1x16xf32> to vector<16xf32>
        %swap3A_436 = vector.shape_cast %mul3A_431 : vector<16xf32> to vector<1x16xf32>
        tpu.vector_store %arg8[%swap3A_432, %swap3A_433], %swap3A_436 {strides = array<i32>} : memref<128x128xf32, #tpu.memory_space<vmem>>, vector<1x16xf32>,
        %get3A_437 = arith.index_cast %scan3A_376 : i32 to index
        %get3A_438 = arith.constant 80 : index
        %get3A_439 = tpu.vector_load %arg8[%get3A_437, %get3A_438] {strides = array<i32>} : memref<128x128xf32, #tpu.memory_space<vmem>>, vector<1x16xf32>,
        %get3A_440 = vector.shape_cast %get3A_439 : vector<1x16xf32> to vector<16xf32>
        %mul3A_441 = arith.constant 11.3137083 : f32
        %mul3A_442 = vector.broadcast %mul3A_441 : f32 to vector<16xf32>
        %mul3A_443 = arith.mulf %get3A_440, %mul3A_442 : vector<16xf32>
        %swap3A_444 = arith.index_cast %scan3A_376 : i32 to index
        %swap3A_445 = arith.constant 80 : index
        %swap3A_446 = tpu.vector_load %arg8[%swap3A_444, %swap3A_445] {strides = array<i32>} : memref<128x128xf32, #tpu.memory_space<vmem>>, vector<1x16xf32>,
        %swap3A_447 = vector.shape_cast %swap3A_446 : vector<1x16xf32> to vector<16xf32>
        %swap3A_448 = vector.shape_cast %mul3A_443 : vector<16xf32> to vector<1x16xf32>
        tpu.vector_store %arg8[%swap3A_444, %swap3A_445], %swap3A_448 {strides = array<i32>} : memref<128x128xf32, #tpu.memory_space<vmem>>, vector<1x16xf32>,
        %get3A_449 = arith.index_cast %scan3A_376 : i32 to index
        %get3A_450 = arith.constant 96 : index
        %get3A_451 = tpu.vector_load %arg8[%get3A_449, %get3A_450] {strides = array<i32>} : memref<128x128xf32, #tpu.memory_space<vmem>>, vector<1x16xf32>,
        %get3A_452 = vector.shape_cast %get3A_451 : vector<1x16xf32> to vector<16xf32>
        %mul3A_453 = arith.constant 11.3137083 : f32
        %mul3A_454 = vector.broadcast %mul3A_453 : f32 to vector<16xf32>
        %mul3A_455 = arith.mulf %get3A_452, %mul3A_454 : vector<16xf32>
        %swap3A_456 = arith.index_cast %scan3A_376 : i32 to index
        %swap3A_457 = arith.constant 96 : index
        %swap3A_458 = tpu.vector_load %arg8[%swap3A_456, %swap3A_457] {strides = array<i32>} : memref<128x128xf32, #tpu.memory_space<vmem>>, vector<1x16xf32>,
        %swap3A_459 = vector.shape_cast %swap3A_458 : vector<1x16xf32> to vector<16xf32>
        %swap3A_460 = vector.shape_cast %mul3A_455 : vector<16xf32> to vector<1x16xf32>
        tpu.vector_store %arg8[%swap3A_456, %swap3A_457], %swap3A_460 {strides = array<i32>} : memref<128x128xf32, #tpu.memory_space<vmem>>, vector<1x16xf32>,
        %get3A_461 = arith.index_cast %scan3A_376 : i32 to index
        %get3A_462 = arith.constant 112 : index
        %get3A_463 = tpu.vector_load %arg8[%get3A_461, %get3A_462] {strides = array<i32>} : memref<128x128xf32, #tpu.memory_space<vmem>>, vector<1x16xf32>,
        %get3A_464 = vector.shape_cast %get3A_463 : vector<1x16xf32> to vector<16xf32>
        %mul3A_465 = arith.constant 11.3137083 : f32
        %mul3A_466 = vector.broadcast %mul3A_465 : f32 to vector<16xf32>
        %mul3A_467 = arith.mulf %get3A_464, %mul3A_466 : vector<16xf32>
        %swap3A_468 = arith.index_cast %scan3A_376 : i32 to index
        %swap3A_469 = arith.constant 112 : index
        %swap3A_470 = tpu.vector_load %arg8[%swap3A_468, %swap3A_469] {strides = array<i32>} : memref<128x128xf32, #tpu.memory_space<vmem>>, vector<1x16xf32>,
        %swap3A_471 = vector.shape_cast %swap3A_470 : vector<1x16xf32> to vector<16xf32>
        %swap3A_472 = vector.shape_cast %mul3A_467 : vector<16xf32> to vector<1x16xf32>
        tpu.vector_store %arg8[%swap3A_468, %swap3A_469], %swap3A_472 {strides = array<i32>} : memref<128x128xf32, #tpu.memory_space<vmem>>, vector<1x16xf32>,
      }
      %scan3A_190 = arith.constant 128 : i32
      %mul3A_191 = arith.constant 6400 : i32
      %mul3A_192 = arith.muli %add3A, %mul3A_191 : i32
      %mul3A_193 = arith.constant 128 : i32
      %mul3A_194 = arith.muli %add3A_163, %mul3A_193 : i32
      %add3A_195 = arith.addi %mul3A_192, %mul3A_194 : i32
      %dma_start3A_196 = arith.constant 0 : i32
      %dma_start3A_197 = tpu.memref_slice %arg4[%add3A_195, %dma_start3A_196] : memref<204800x128xf32, #tpu.memory_space<hbm>> -> memref<128x128xf32, #tpu.memory_space<hbm>>
      %dma_start3A_198 = arith.constant 0 : i32
      %dma_start3A_199 = tpu.memref_slice %arg4[%add3A_195, %dma_start3A_198] : memref<204800x128xf32, #tpu.memory_space<hbm>> -> memref<128x128xf32, #tpu.memory_space<hbm>>
      tpu.enqueue_dma source(%arg8 : memref<128x128xf32, #tpu.memory_space<vmem>>) target(%dma_start3A_199 : memref<128x128xf32, #tpu.memory_space<hbm>>) target_semaphore(%arg18 : memref<!tpu.dma_semaphore, #tpu.memory_space<semaphore_mem>>)
      %mul3A_200 = arith.constant 5 : i32
      %mul3A_201 = arith.muli %scan3A_82, %mul3A_200 : i32
      %add3A_202 = arith.constant 3 : i32
      %add3A_203 = arith.addi %mul3A_201, %add3A_202 : i32
      %add3A_204 = arith.constant 1 : i32
      %add3A_205 = arith.addi %scan3A_82, %add3A_204 : i32
      %add3A_206 = arith.constant 4 : i32
      %add3A_207 = arith.addi %add3A_203, %add3A_206 : i32
      %lt3A_208 = arith.constant 50 : i32
      %lt3A_209 = arith.cmpi slt, %add3A_207, %lt3A_208 : i32
      %convert_element_type3A_210 = arith.extui %lt3A_209 : i1 to i32
      %cond3A_211 = arith.constant 0 : i32
      %cond3A_212 = arith.cmpi ne, %convert_element_type3A_210, %cond3A_211 : i32
      scf.if %cond3A_212 {
        %ge3A = arith.constant 5 : i32
        %ge3A_280 = arith.cmpi sge, %add3A_207, %ge3A : i32
        %convert_element_type3A_281 = arith.extui %ge3A_280 : i1 to i32
        %cond3A_282 = arith.constant 0 : i32
        %cond3A_283 = arith.cmpi ne, %convert_element_type3A_281, %cond3A_282 : i32
        scf.if %cond3A_283 {
          %dma_wait3A_295 = arith.constant 0 : i32
          %dma_wait3A_296 = arith.constant 0 : i32
          %dma_wait3A_297 = tpu.memref_slice %arg4[%dma_wait3A_295, %dma_wait3A_296] : memref<204800x128xf32, #tpu.memory_space<hbm>> -> memref<128x128xf32, #tpu.memory_space<hbm>>
          %dma_wait3A_298 = arith.constant 0 : i32
          %dma_wait3A_299 = arith.constant 0 : i32
          %dma_wait3A_300 = tpu.memref_slice %arg4[%dma_wait3A_298, %dma_wait3A_299] : memref<204800x128xf32, #tpu.memory_space<hbm>> -> memref<128x128xf32, #tpu.memory_space<hbm>>
          tpu.wait_dma2 semaphore(%arg18 : memref<!tpu.dma_semaphore, #tpu.memory_space<semaphore_mem>>) src(%arg8 : memref<128x128xf32, #tpu.memory_space<vmem>>) dst(%dma_wait3A_300 : memref<128x128xf32, #tpu.memory_space<hbm>>)
        } else {
        }
        %dma_start3A_284 = arith.constant 2 : i32
        %dma_start3A_285 = arith.constant 0 : i32
        %dma_start3A_286 = arith.constant 0 : i32
        %dma_start3A_287 = arith.constant 0 : i32
        %dma_start3A_288 = tpu.memref_slice %arg8[%dma_start3A_286, %dma_start3A_287] : memref<128x128xf32, #tpu.memory_space<vmem>> -> memref<128x128xf32, #tpu.memory_space<vmem>>
        %dma_start3A_289 = arith.constant 0 : i32
        %dma_start3A_290 = tpu.memref_slice %arg5[%add3A_205, %dma_start3A_284, %dma_start3A_285, %dma_start3A_289] : memref<10x5x1x128xi32, #tpu.memory_space<vmem>> -> memref<1x1x1x128xi32, #tpu.memory_space<vmem>>
        %dma_start3A_291 = tpu.memref_squeeze %dma_start3A_290 : memref<1x1x1x128xi32, #tpu.memory_space<vmem>> -> memref<128xi32, #tpu.memory_space<vmem>>
        %dma_start3A_292 = arith.constant 0 : i32
        %dma_start3A_293 = arith.constant 0 : i32
        %dma_start3A_294 = tpu.memref_slice %arg3[%dma_start3A_292, %dma_start3A_293] : memref<1000000x128xf32, #tpu.memory_space<hbm>> -> memref<1000000x128xf32, #tpu.memory_space<hbm>>
        tpu.enqueue_indirect_dma source(%dma_start3A_294 : memref<1000000x128xf32, #tpu.memory_space<hbm>>) target(%dma_start3A_288 : memref<128x128xf32, #tpu.memory_space<vmem>>) offsets(%dma_start3A_291 : memref<128xi32, #tpu.memory_space<vmem>>) semaphore(%arg13 : memref<!tpu.dma_semaphore, #tpu.memory_space<semaphore_mem>>)
      } else {
      }
      %dma_wait3A_213 = arith.constant 0 : i32
      %dma_wait3A_214 = arith.constant 0 : i32
      %dma_wait3A_215 = tpu.memref_slice %arg9[%dma_wait3A_213, %dma_wait3A_214] : memref<128x128xf32, #tpu.memory_space<vmem>> -> memref<128x128xf32, #tpu.memory_space<vmem>>
      %dma_wait3A_216 = arith.constant 0 : i32
      %dma_wait3A_217 = arith.constant 0 : i32
      %dma_wait3A_218 = tpu.memref_slice %arg3[%dma_wait3A_216, %dma_wait3A_217] : memref<1000000x128xf32, #tpu.memory_space<hbm>> -> memref<128x128xf32, #tpu.memory_space<hbm>>
      %dma_wait3A_219 = arith.constant 0 : i32
      %dma_wait3A_220 = arith.constant 0 : i32
      %dma_wait3A_221 = tpu.memref_slice %arg9[%dma_wait3A_219, %dma_wait3A_220] : memref<128x128xf32, #tpu.memory_space<vmem>> -> memref<128x128xf32, #tpu.memory_space<vmem>>
      %dma_wait3A_222 = arith.constant 0 : i32
      %dma_wait3A_223 = arith.constant 0 : i32
      %dma_wait3A_224 = tpu.memref_slice %arg3[%dma_wait3A_222, %dma_wait3A_223] : memref<1000000x128xf32, #tpu.memory_space<hbm>> -> memref<128x128xf32, #tpu.memory_space<hbm>>
      tpu.wait_dma2 semaphore(%arg14 : memref<!tpu.dma_semaphore, #tpu.memory_space<semaphore_mem>>) src(%dma_wait3A_224 : memref<128x128xf32, #tpu.memory_space<hbm>>) dst(%dma_wait3A_221 : memref<128x128xf32, #tpu.memory_space<vmem>>)
      %scan3A_225 = arith.constant 0 : i32
      %scan3A_226 = arith.constant 0 : i32
      %scan3A_227 = arith.constant 128 : i32
      %scan3A_228 = arith.addi %scan3A_226, %scan3A_227 : i32
      %scan3A_229 = arith.constant 2 : i32
      scf.for %scan3A_280 = %scan3A_226 to %scan3A_228 step %scan3A_229  : i32 {
        %get3A = arith.index_cast %scan3A_280 : i32 to index
        %get3A_281 = arith.constant 0 : index
        %get3A_282 = tpu.vector_load %arg9[%get3A, %get3A_281] {strides = array<i32>} : memref<128x128xf32, #tpu.memory_space<vmem>>, vector<1x16xf32>,
        %get3A_283 = vector.shape_cast %get3A_282 : vector<1x16xf32> to vector<16xf32>
        %mul3A_284 = arith.constant 11.3137083 : f32
        %mul3A_285 = vector.broadcast %mul3A_284 : f32 to vector<16xf32>
        %mul3A_286 = arith.mulf %get3A_283, %mul3A_285 : vector<16xf32>
        %swap3A = arith.index_cast %scan3A_280 : i32 to index
        %swap3A_287 = arith.constant 0 : index
        %swap3A_288 = tpu.vector_load %arg9[%swap3A, %swap3A_287] {strides = array<i32>} : memref<128x128xf32, #tpu.memory_space<vmem>>, vector<1x16xf32>,
        %swap3A_289 = vector.shape_cast %swap3A_288 : vector<1x16xf32> to vector<16xf32>
        %swap3A_290 = vector.shape_cast %mul3A_286 : vector<16xf32> to vector<1x16xf32>
        tpu.vector_store %arg9[%swap3A, %swap3A_287], %swap3A_290 {strides = array<i32>} : memref<128x128xf32, #tpu.memory_space<vmem>>, vector<1x16xf32>,
        %get3A_291 = arith.index_cast %scan3A_280 : i32 to index
        %get3A_292 = arith.constant 16 : index
        %get3A_293 = tpu.vector_load %arg9[%get3A_291, %get3A_292] {strides = array<i32>} : memref<128x128xf32, #tpu.memory_space<vmem>>, vector<1x16xf32>,
        %get3A_294 = vector.shape_cast %get3A_293 : vector<1x16xf32> to vector<16xf32>
        %mul3A_295 = arith.constant 11.3137083 : f32
        %mul3A_296 = vector.broadcast %mul3A_295 : f32 to vector<16xf32>
        %mul3A_297 = arith.mulf %get3A_294, %mul3A_296 : vector<16xf32>
        %swap3A_298 = arith.index_cast %scan3A_280 : i32 to index
        %swap3A_299 = arith.constant 16 : index
        %swap3A_300 = tpu.vector_load %arg9[%swap3A_298, %swap3A_299] {strides = array<i32>} : memref<128x128xf32, #tpu.memory_space<vmem>>, vector<1x16xf32>,
        %swap3A_301 = vector.shape_cast %swap3A_300 : vector<1x16xf32> to vector<16xf32>
        %swap3A_302 = vector.shape_cast %mul3A_297 : vector<16xf32> to vector<1x16xf32>
        tpu.vector_store %arg9[%swap3A_298, %swap3A_299], %swap3A_302 {strides = array<i32>} : memref<128x128xf32, #tpu.memory_space<vmem>>, vector<1x16xf32>,
        %get3A_303 = arith.index_cast %scan3A_280 : i32 to index
        %get3A_304 = arith.constant 32 : index
        %get3A_305 = tpu.vector_load %arg9[%get3A_303, %get3A_304] {strides = array<i32>} : memref<128x128xf32, #tpu.memory_space<vmem>>, vector<1x16xf32>,
        %get3A_306 = vector.shape_cast %get3A_305 : vector<1x16xf32> to vector<16xf32>
        %mul3A_307 = arith.constant 11.3137083 : f32
        %mul3A_308 = vector.broadcast %mul3A_307 : f32 to vector<16xf32>
        %mul3A_309 = arith.mulf %get3A_306, %mul3A_308 : vector<16xf32>
        %swap3A_310 = arith.index_cast %scan3A_280 : i32 to index
        %swap3A_311 = arith.constant 32 : index
        %swap3A_312 = tpu.vector_load %arg9[%swap3A_310, %swap3A_311] {strides = array<i32>} : memref<128x128xf32, #tpu.memory_space<vmem>>, vector<1x16xf32>,
        %swap3A_313 = vector.shape_cast %swap3A_312 : vector<1x16xf32> to vector<16xf32>
        %swap3A_314 = vector.shape_cast %mul3A_309 : vector<16xf32> to vector<1x16xf32>
        tpu.vector_store %arg9[%swap3A_310, %swap3A_311], %swap3A_314 {strides = array<i32>} : memref<128x128xf32, #tpu.memory_space<vmem>>, vector<1x16xf32>,
        %get3A_315 = arith.index_cast %scan3A_280 : i32 to index
        %get3A_316 = arith.constant 48 : index
        %get3A_317 = tpu.vector_load %arg9[%get3A_315, %get3A_316] {strides = array<i32>} : memref<128x128xf32, #tpu.memory_space<vmem>>, vector<1x16xf32>,
        %get3A_318 = vector.shape_cast %get3A_317 : vector<1x16xf32> to vector<16xf32>
        %mul3A_319 = arith.constant 11.3137083 : f32
        %mul3A_320 = vector.broadcast %mul3A_319 : f32 to vector<16xf32>
        %mul3A_321 = arith.mulf %get3A_318, %mul3A_320 : vector<16xf32>
        %swap3A_322 = arith.index_cast %scan3A_280 : i32 to index
        %swap3A_323 = arith.constant 48 : index
        %swap3A_324 = tpu.vector_load %arg9[%swap3A_322, %swap3A_323] {strides = array<i32>} : memref<128x128xf32, #tpu.memory_space<vmem>>, vector<1x16xf32>,
        %swap3A_325 = vector.shape_cast %swap3A_324 : vector<1x16xf32> to vector<16xf32>
        %swap3A_326 = vector.shape_cast %mul3A_321 : vector<16xf32> to vector<1x16xf32>
        tpu.vector_store %arg9[%swap3A_322, %swap3A_323], %swap3A_326 {strides = array<i32>} : memref<128x128xf32, #tpu.memory_space<vmem>>, vector<1x16xf32>,
        %get3A_327 = arith.index_cast %scan3A_280 : i32 to index
        %get3A_328 = arith.constant 64 : index
        %get3A_329 = tpu.vector_load %arg9[%get3A_327, %get3A_328] {strides = array<i32>} : memref<128x128xf32, #tpu.memory_space<vmem>>, vector<1x16xf32>,
        %get3A_330 = vector.shape_cast %get3A_329 : vector<1x16xf32> to vector<16xf32>
        %mul3A_331 = arith.constant 11.3137083 : f32
        %mul3A_332 = vector.broadcast %mul3A_331 : f32 to vector<16xf32>
        %mul3A_333 = arith.mulf %get3A_330, %mul3A_332 : vector<16xf32>
        %swap3A_334 = arith.index_cast %scan3A_280 : i32 to index
        %swap3A_335 = arith.constant 64 : index
        %swap3A_336 = tpu.vector_load %arg9[%swap3A_334, %swap3A_335] {strides = array<i32>} : memref<128x128xf32, #tpu.memory_space<vmem>>, vector<1x16xf32>,
        %swap3A_337 = vector.shape_cast %swap3A_336 : vector<1x16xf32> to vector<16xf32>
        %swap3A_338 = vector.shape_cast %mul3A_333 : vector<16xf32> to vector<1x16xf32>
        tpu.vector_store %arg9[%swap3A_334, %swap3A_335], %swap3A_338 {strides = array<i32>} : memref<128x128xf32, #tpu.memory_space<vmem>>, vector<1x16xf32>,
        %get3A_339 = arith.index_cast %scan3A_280 : i32 to index
        %get3A_340 = arith.constant 80 : index
        %get3A_341 = tpu.vector_load %arg9[%get3A_339, %get3A_340] {strides = array<i32>} : memref<128x128xf32, #tpu.memory_space<vmem>>, vector<1x16xf32>,
        %get3A_342 = vector.shape_cast %get3A_341 : vector<1x16xf32> to vector<16xf32>
        %mul3A_343 = arith.constant 11.3137083 : f32
        %mul3A_344 = vector.broadcast %mul3A_343 : f32 to vector<16xf32>
        %mul3A_345 = arith.mulf %get3A_342, %mul3A_344 : vector<16xf32>
        %swap3A_346 = arith.index_cast %scan3A_280 : i32 to index
        %swap3A_347 = arith.constant 80 : index
        %swap3A_348 = tpu.vector_load %arg9[%swap3A_346, %swap3A_347] {strides = array<i32>} : memref<128x128xf32, #tpu.memory_space<vmem>>, vector<1x16xf32>,
        %swap3A_349 = vector.shape_cast %swap3A_348 : vector<1x16xf32> to vector<16xf32>
        %swap3A_350 = vector.shape_cast %mul3A_345 : vector<16xf32> to vector<1x16xf32>
        tpu.vector_store %arg9[%swap3A_346, %swap3A_347], %swap3A_350 {strides = array<i32>} : memref<128x128xf32, #tpu.memory_space<vmem>>, vector<1x16xf32>,
        %get3A_351 = arith.index_cast %scan3A_280 : i32 to index
        %get3A_352 = arith.constant 96 : index
        %get3A_353 = tpu.vector_load %arg9[%get3A_351, %get3A_352] {strides = array<i32>} : memref<128x128xf32, #tpu.memory_space<vmem>>, vector<1x16xf32>,
        %get3A_354 = vector.shape_cast %get3A_353 : vector<1x16xf32> to vector<16xf32>
        %mul3A_355 = arith.constant 11.3137083 : f32
        %mul3A_356 = vector.broadcast %mul3A_355 : f32 to vector<16xf32>
        %mul3A_357 = arith.mulf %get3A_354, %mul3A_356 : vector<16xf32>
        %swap3A_358 = arith.index_cast %scan3A_280 : i32 to index
        %swap3A_359 = arith.constant 96 : index
        %swap3A_360 = tpu.vector_load %arg9[%swap3A_358, %swap3A_359] {strides = array<i32>} : memref<128x128xf32, #tpu.memory_space<vmem>>, vector<1x16xf32>,
        %swap3A_361 = vector.shape_cast %swap3A_360 : vector<1x16xf32> to vector<16xf32>
        %swap3A_362 = vector.shape_cast %mul3A_357 : vector<16xf32> to vector<1x16xf32>
        tpu.vector_store %arg9[%swap3A_358, %swap3A_359], %swap3A_362 {strides = array<i32>} : memref<128x128xf32, #tpu.memory_space<vmem>>, vector<1x16xf32>,
        %get3A_363 = arith.index_cast %scan3A_280 : i32 to index
        %get3A_364 = arith.constant 112 : index
        %get3A_365 = tpu.vector_load %arg9[%get3A_363, %get3A_364] {strides = array<i32>} : memref<128x128xf32, #tpu.memory_space<vmem>>, vector<1x16xf32>,
        %get3A_366 = vector.shape_cast %get3A_365 : vector<1x16xf32> to vector<16xf32>
        %mul3A_367 = arith.constant 11.3137083 : f32
        %mul3A_368 = vector.broadcast %mul3A_367 : f32 to vector<16xf32>
        %mul3A_369 = arith.mulf %get3A_366, %mul3A_368 : vector<16xf32>
        %swap3A_370 = arith.index_cast %scan3A_280 : i32 to index
        %swap3A_371 = arith.constant 112 : index
        %swap3A_372 = tpu.vector_load %arg9[%swap3A_370, %swap3A_371] {strides = array<i32>} : memref<128x128xf32, #tpu.memory_space<vmem>>, vector<1x16xf32>,
        %swap3A_373 = vector.shape_cast %swap3A_372 : vector<1x16xf32> to vector<16xf32>
        %swap3A_374 = vector.shape_cast %mul3A_369 : vector<16xf32> to vector<1x16xf32>
        tpu.vector_store %arg9[%swap3A_370, %swap3A_371], %swap3A_374 {strides = array<i32>} : memref<128x128xf32, #tpu.memory_space<vmem>>, vector<1x16xf32>,
        %scan3A_375 = arith.constant 1 : i32
        %scan3A_376 = arith.addi %scan3A_280, %scan3A_375 : i32
        %get3A_377 = arith.index_cast %scan3A_376 : i32 to index
        %get3A_378 = arith.constant 0 : index
        %get3A_379 = tpu.vector_load %arg9[%get3A_377, %get3A_378] {strides = array<i32>} : memref<128x128xf32, #tpu.memory_space<vmem>>, vector<1x16xf32>,
        %get3A_380 = vector.shape_cast %get3A_379 : vector<1x16xf32> to vector<16xf32>
        %mul3A_381 = arith.constant 11.3137083 : f32
        %mul3A_382 = vector.broadcast %mul3A_381 : f32 to vector<16xf32>
        %mul3A_383 = arith.mulf %get3A_380, %mul3A_382 : vector<16xf32>
        %swap3A_384 = arith.index_cast %scan3A_376 : i32 to index
        %swap3A_385 = arith.constant 0 : index
        %swap3A_386 = tpu.vector_load %arg9[%swap3A_384, %swap3A_385] {strides = array<i32>} : memref<128x128xf32, #tpu.memory_space<vmem>>, vector<1x16xf32>,
        %swap3A_387 = vector.shape_cast %swap3A_386 : vector<1x16xf32> to vector<16xf32>
        %swap3A_388 = vector.shape_cast %mul3A_383 : vector<16xf32> to vector<1x16xf32>
        tpu.vector_store %arg9[%swap3A_384, %swap3A_385], %swap3A_388 {strides = array<i32>} : memref<128x128xf32, #tpu.memory_space<vmem>>, vector<1x16xf32>,
        %get3A_389 = arith.index_cast %scan3A_376 : i32 to index
        %get3A_390 = arith.constant 16 : index
        %get3A_391 = tpu.vector_load %arg9[%get3A_389, %get3A_390] {strides = array<i32>} : memref<128x128xf32, #tpu.memory_space<vmem>>, vector<1x16xf32>,
        %get3A_392 = vector.shape_cast %get3A_391 : vector<1x16xf32> to vector<16xf32>
        %mul3A_393 = arith.constant 11.3137083 : f32
        %mul3A_394 = vector.broadcast %mul3A_393 : f32 to vector<16xf32>
        %mul3A_395 = arith.mulf %get3A_392, %mul3A_394 : vector<16xf32>
        %swap3A_396 = arith.index_cast %scan3A_376 : i32 to index
        %swap3A_397 = arith.constant 16 : index
        %swap3A_398 = tpu.vector_load %arg9[%swap3A_396, %swap3A_397] {strides = array<i32>} : memref<128x128xf32, #tpu.memory_space<vmem>>, vector<1x16xf32>,
        %swap3A_399 = vector.shape_cast %swap3A_398 : vector<1x16xf32> to vector<16xf32>
        %swap3A_400 = vector.shape_cast %mul3A_395 : vector<16xf32> to vector<1x16xf32>
        tpu.vector_store %arg9[%swap3A_396, %swap3A_397], %swap3A_400 {strides = array<i32>} : memref<128x128xf32, #tpu.memory_space<vmem>>, vector<1x16xf32>,
        %get3A_401 = arith.index_cast %scan3A_376 : i32 to index
        %get3A_402 = arith.constant 32 : index
        %get3A_403 = tpu.vector_load %arg9[%get3A_401, %get3A_402] {strides = array<i32>} : memref<128x128xf32, #tpu.memory_space<vmem>>, vector<1x16xf32>,
        %get3A_404 = vector.shape_cast %get3A_403 : vector<1x16xf32> to vector<16xf32>
        %mul3A_405 = arith.constant 11.3137083 : f32
        %mul3A_406 = vector.broadcast %mul3A_405 : f32 to vector<16xf32>
        %mul3A_407 = arith.mulf %get3A_404, %mul3A_406 : vector<16xf32>
        %swap3A_408 = arith.index_cast %scan3A_376 : i32 to index
        %swap3A_409 = arith.constant 32 : index
        %swap3A_410 = tpu.vector_load %arg9[%swap3A_408, %swap3A_409] {strides = array<i32>} : memref<128x128xf32, #tpu.memory_space<vmem>>, vector<1x16xf32>,
        %swap3A_411 = vector.shape_cast %swap3A_410 : vector<1x16xf32> to vector<16xf32>
        %swap3A_412 = vector.shape_cast %mul3A_407 : vector<16xf32> to vector<1x16xf32>
        tpu.vector_store %arg9[%swap3A_408, %swap3A_409], %swap3A_412 {strides = array<i32>} : memref<128x128xf32, #tpu.memory_space<vmem>>, vector<1x16xf32>,
        %get3A_413 = arith.index_cast %scan3A_376 : i32 to index
        %get3A_414 = arith.constant 48 : index
        %get3A_415 = tpu.vector_load %arg9[%get3A_413, %get3A_414] {strides = array<i32>} : memref<128x128xf32, #tpu.memory_space<vmem>>, vector<1x16xf32>,
        %get3A_416 = vector.shape_cast %get3A_415 : vector<1x16xf32> to vector<16xf32>
        %mul3A_417 = arith.constant 11.3137083 : f32
        %mul3A_418 = vector.broadcast %mul3A_417 : f32 to vector<16xf32>
        %mul3A_419 = arith.mulf %get3A_416, %mul3A_418 : vector<16xf32>
        %swap3A_420 = arith.index_cast %scan3A_376 : i32 to index
        %swap3A_421 = arith.constant 48 : index
        %swap3A_422 = tpu.vector_load %arg9[%swap3A_420, %swap3A_421] {strides = array<i32>} : memref<128x128xf32, #tpu.memory_space<vmem>>, vector<1x16xf32>,
        %swap3A_423 = vector.shape_cast %swap3A_422 : vector<1x16xf32> to vector<16xf32>
        %swap3A_424 = vector.shape_cast %mul3A_419 : vector<16xf32> to vector<1x16xf32>
        tpu.vector_store %arg9[%swap3A_420, %swap3A_421], %swap3A_424 {strides = array<i32>} : memref<128x128xf32, #tpu.memory_space<vmem>>, vector<1x16xf32>,
        %get3A_425 = arith.index_cast %scan3A_376 : i32 to index
        %get3A_426 = arith.constant 64 : index
        %get3A_427 = tpu.vector_load %arg9[%get3A_425, %get3A_426] {strides = array<i32>} : memref<128x128xf32, #tpu.memory_space<vmem>>, vector<1x16xf32>,
        %get3A_428 = vector.shape_cast %get3A_427 : vector<1x16xf32> to vector<16xf32>
        %mul3A_429 = arith.constant 11.3137083 : f32
        %mul3A_430 = vector.broadcast %mul3A_429 : f32 to vector<16xf32>
        %mul3A_431 = arith.mulf %get3A_428, %mul3A_430 : vector<16xf32>
        %swap3A_432 = arith.index_cast %scan3A_376 : i32 to index
        %swap3A_433 = arith.constant 64 : index
        %swap3A_434 = tpu.vector_load %arg9[%swap3A_432, %swap3A_433] {strides = array<i32>} : memref<128x128xf32, #tpu.memory_space<vmem>>, vector<1x16xf32>,
        %swap3A_435 = vector.shape_cast %swap3A_434 : vector<1x16xf32> to vector<16xf32>
        %swap3A_436 = vector.shape_cast %mul3A_431 : vector<16xf32> to vector<1x16xf32>
        tpu.vector_store %arg9[%swap3A_432, %swap3A_433], %swap3A_436 {strides = array<i32>} : memref<128x128xf32, #tpu.memory_space<vmem>>, vector<1x16xf32>,
        %get3A_437 = arith.index_cast %scan3A_376 : i32 to index
        %get3A_438 = arith.constant 80 : index
        %get3A_439 = tpu.vector_load %arg9[%get3A_437, %get3A_438] {strides = array<i32>} : memref<128x128xf32, #tpu.memory_space<vmem>>, vector<1x16xf32>,
        %get3A_440 = vector.shape_cast %get3A_439 : vector<1x16xf32> to vector<16xf32>
        %mul3A_441 = arith.constant 11.3137083 : f32
        %mul3A_442 = vector.broadcast %mul3A_441 : f32 to vector<16xf32>
        %mul3A_443 = arith.mulf %get3A_440, %mul3A_442 : vector<16xf32>
        %swap3A_444 = arith.index_cast %scan3A_376 : i32 to index
        %swap3A_445 = arith.constant 80 : index
        %swap3A_446 = tpu.vector_load %arg9[%swap3A_444, %swap3A_445] {strides = array<i32>} : memref<128x128xf32, #tpu.memory_space<vmem>>, vector<1x16xf32>,
        %swap3A_447 = vector.shape_cast %swap3A_446 : vector<1x16xf32> to vector<16xf32>
        %swap3A_448 = vector.shape_cast %mul3A_443 : vector<16xf32> to vector<1x16xf32>
        tpu.vector_store %arg9[%swap3A_444, %swap3A_445], %swap3A_448 {strides = array<i32>} : memref<128x128xf32, #tpu.memory_space<vmem>>, vector<1x16xf32>,
        %get3A_449 = arith.index_cast %scan3A_376 : i32 to index
        %get3A_450 = arith.constant 96 : index
        %get3A_451 = tpu.vector_load %arg9[%get3A_449, %get3A_450] {strides = array<i32>} : memref<128x128xf32, #tpu.memory_space<vmem>>, vector<1x16xf32>,
        %get3A_452 = vector.shape_cast %get3A_451 : vector<1x16xf32> to vector<16xf32>
        %mul3A_453 = arith.constant 11.3137083 : f32
        %mul3A_454 = vector.broadcast %mul3A_453 : f32 to vector<16xf32>
        %mul3A_455 = arith.mulf %get3A_452, %mul3A_454 : vector<16xf32>
        %swap3A_456 = arith.index_cast %scan3A_376 : i32 to index
        %swap3A_457 = arith.constant 96 : index
        %swap3A_458 = tpu.vector_load %arg9[%swap3A_456, %swap3A_457] {strides = array<i32>} : memref<128x128xf32, #tpu.memory_space<vmem>>, vector<1x16xf32>,
        %swap3A_459 = vector.shape_cast %swap3A_458 : vector<1x16xf32> to vector<16xf32>
        %swap3A_460 = vector.shape_cast %mul3A_455 : vector<16xf32> to vector<1x16xf32>
        tpu.vector_store %arg9[%swap3A_456, %swap3A_457], %swap3A_460 {strides = array<i32>} : memref<128x128xf32, #tpu.memory_space<vmem>>, vector<1x16xf32>,
        %get3A_461 = arith.index_cast %scan3A_376 : i32 to index
        %get3A_462 = arith.constant 112 : index
        %get3A_463 = tpu.vector_load %arg9[%get3A_461, %get3A_462] {strides = array<i32>} : memref<128x128xf32, #tpu.memory_space<vmem>>, vector<1x16xf32>,
        %get3A_464 = vector.shape_cast %get3A_463 : vector<1x16xf32> to vector<16xf32>
        %mul3A_465 = arith.constant 11.3137083 : f32
        %mul3A_466 = vector.broadcast %mul3A_465 : f32 to vector<16xf32>
        %mul3A_467 = arith.mulf %get3A_464, %mul3A_466 : vector<16xf32>
        %swap3A_468 = arith.index_cast %scan3A_376 : i32 to index
        %swap3A_469 = arith.constant 112 : index
        %swap3A_470 = tpu.vector_load %arg9[%swap3A_468, %swap3A_469] {strides = array<i32>} : memref<128x128xf32, #tpu.memory_space<vmem>>, vector<1x16xf32>,
        %swap3A_471 = vector.shape_cast %swap3A_470 : vector<1x16xf32> to vector<16xf32>
        %swap3A_472 = vector.shape_cast %mul3A_467 : vector<16xf32> to vector<1x16xf32>
        tpu.vector_store %arg9[%swap3A_468, %swap3A_469], %swap3A_472 {strides = array<i32>} : memref<128x128xf32, #tpu.memory_space<vmem>>, vector<1x16xf32>,
      }
      %scan3A_230 = arith.constant 128 : i32
      %mul3A_231 = arith.constant 6400 : i32
      %mul3A_232 = arith.muli %add3A, %mul3A_231 : i32
      %mul3A_233 = arith.constant 128 : i32
      %mul3A_234 = arith.muli %add3A_203, %mul3A_233 : i32
      %add3A_235 = arith.addi %mul3A_232, %mul3A_234 : i32
      %dma_start3A_236 = arith.constant 0 : i32
      %dma_start3A_237 = tpu.memref_slice %arg4[%add3A_235, %dma_start3A_236] : memref<204800x128xf32, #tpu.memory_space<hbm>> -> memref<128x128xf32, #tpu.memory_space<hbm>>
      %dma_start3A_238 = arith.constant 0 : i32
      %dma_start3A_239 = tpu.memref_slice %arg4[%add3A_235, %dma_start3A_238] : memref<204800x128xf32, #tpu.memory_space<hbm>> -> memref<128x128xf32, #tpu.memory_space<hbm>>
      tpu.enqueue_dma source(%arg9 : memref<128x128xf32, #tpu.memory_space<vmem>>) target(%dma_start3A_239 : memref<128x128xf32, #tpu.memory_space<hbm>>) target_semaphore(%arg19 : memref<!tpu.dma_semaphore, #tpu.memory_space<semaphore_mem>>)
      %mul3A_240 = arith.constant 5 : i32
      %mul3A_241 = arith.muli %scan3A_82, %mul3A_240 : i32
      %add3A_242 = arith.constant 4 : i32
      %add3A_243 = arith.addi %mul3A_241, %add3A_242 : i32
      %add3A_244 = arith.constant 1 : i32
      %add3A_245 = arith.addi %scan3A_82, %add3A_244 : i32
      %add3A_246 = arith.constant 4 : i32
      %add3A_247 = arith.addi %add3A_243, %add3A_246 : i32
      %lt3A_248 = arith.constant 50 : i32
      %lt3A_249 = arith.cmpi slt, %add3A_247, %lt3A_248 : i32
      %convert_element_type3A_250 = arith.extui %lt3A_249 : i1 to i32
      %cond3A_251 = arith.constant 0 : i32
      %cond3A_252 = arith.cmpi ne, %convert_element_type3A_250, %cond3A_251 : i32
      scf.if %cond3A_252 {
        %ge3A = arith.constant 5 : i32
        %ge3A_280 = arith.cmpi sge, %add3A_247, %ge3A : i32
        %convert_element_type3A_281 = arith.extui %ge3A_280 : i1 to i32
        %cond3A_282 = arith.constant 0 : i32
        %cond3A_283 = arith.cmpi ne, %convert_element_type3A_281, %cond3A_282 : i32
        scf.if %cond3A_283 {
          %dma_wait3A_295 = arith.constant 0 : i32
          %dma_wait3A_296 = arith.constant 0 : i32
          %dma_wait3A_297 = tpu.memref_slice %arg4[%dma_wait3A_295, %dma_wait3A_296] : memref<204800x128xf32, #tpu.memory_space<hbm>> -> memref<128x128xf32, #tpu.memory_space<hbm>>
          %dma_wait3A_298 = arith.constant 0 : i32
          %dma_wait3A_299 = arith.constant 0 : i32
          %dma_wait3A_300 = tpu.memref_slice %arg4[%dma_wait3A_298, %dma_wait3A_299] : memref<204800x128xf32, #tpu.memory_space<hbm>> -> memref<128x128xf32, #tpu.memory_space<hbm>>
          tpu.wait_dma2 semaphore(%arg19 : memref<!tpu.dma_semaphore, #tpu.memory_space<semaphore_mem>>) src(%arg9 : memref<128x128xf32, #tpu.memory_space<vmem>>) dst(%dma_wait3A_300 : memref<128x128xf32, #tpu.memory_space<hbm>>)
        } else {
        }
        %dma_start3A_284 = arith.constant 3 : i32
        %dma_start3A_285 = arith.constant 0 : i32
        %dma_start3A_286 = arith.constant 0 : i32
        %dma_start3A_287 = arith.constant 0 : i32
        %dma_start3A_288 = tpu.memref_slice %arg9[%dma_start3A_286, %dma_start3A_287] : memref<128x128xf32, #tpu.memory_space<vmem>> -> memref<128x128xf32, #tpu.memory_space<vmem>>
        %dma_start3A_289 = arith.constant 0 : i32
        %dma_start3A_290 = tpu.memref_slice %arg5[%add3A_245, %dma_start3A_284, %dma_start3A_285, %dma_start3A_289] : memref<10x5x1x128xi32, #tpu.memory_space<vmem>> -> memref<1x1x1x128xi32, #tpu.memory_space<vmem>>
        %dma_start3A_291 = tpu.memref_squeeze %dma_start3A_290 : memref<1x1x1x128xi32, #tpu.memory_space<vmem>> -> memref<128xi32, #tpu.memory_space<vmem>>
        %dma_start3A_292 = arith.constant 0 : i32
        %dma_start3A_293 = arith.constant 0 : i32
        %dma_start3A_294 = tpu.memref_slice %arg3[%dma_start3A_292, %dma_start3A_293] : memref<1000000x128xf32, #tpu.memory_space<hbm>> -> memref<1000000x128xf32, #tpu.memory_space<hbm>>
        tpu.enqueue_indirect_dma source(%dma_start3A_294 : memref<1000000x128xf32, #tpu.memory_space<hbm>>) target(%dma_start3A_288 : memref<128x128xf32, #tpu.memory_space<vmem>>) offsets(%dma_start3A_291 : memref<128xi32, #tpu.memory_space<vmem>>) semaphore(%arg14 : memref<!tpu.dma_semaphore, #tpu.memory_space<semaphore_mem>>)
      } else {
      }
      %dma_wait3A_253 = arith.constant 0 : i32
      %dma_wait3A_254 = arith.constant 0 : i32
      %dma_wait3A_255 = tpu.memref_slice %arg10[%dma_wait3A_253, %dma_wait3A_254] : memref<128x128xf32, #tpu.memory_space<vmem>> -> memref<128x128xf32, #tpu.memory_space<vmem>>
      %dma_wait3A_256 = arith.constant 0 : i32
      %dma_wait3A_257 = arith.constant 0 : i32
      %dma_wait3A_258 = tpu.memref_slice %arg3[%dma_wait3A_256, %dma_wait3A_257] : memref<1000000x128xf32, #tpu.memory_space<hbm>> -> memref<128x128xf32, #tpu.memory_space<hbm>>
      %dma_wait3A_259 = arith.constant 0 : i32
      %dma_wait3A_260 = arith.constant 0 : i32
      %dma_wait3A_261 = tpu.memref_slice %arg10[%dma_wait3A_259, %dma_wait3A_260] : memref<128x128xf32, #tpu.memory_space<vmem>> -> memref<128x128xf32, #tpu.memory_space<vmem>>
      %dma_wait3A_262 = arith.constant 0 : i32
      %dma_wait3A_263 = arith.constant 0 : i32
      %dma_wait3A_264 = tpu.memref_slice %arg3[%dma_wait3A_262, %dma_wait3A_263] : memref<1000000x128xf32, #tpu.memory_space<hbm>> -> memref<128x128xf32, #tpu.memory_space<hbm>>
      tpu.wait_dma2 semaphore(%arg15 : memref<!tpu.dma_semaphore, #tpu.memory_space<semaphore_mem>>) src(%dma_wait3A_264 : memref<128x128xf32, #tpu.memory_space<hbm>>) dst(%dma_wait3A_261 : memref<128x128xf32, #tpu.memory_space<vmem>>)
      %scan3A_265 = arith.constant 0 : i32
      %scan3A_266 = arith.constant 0 : i32
      %scan3A_267 = arith.constant 128 : i32
      %scan3A_268 = arith.addi %scan3A_266, %scan3A_267 : i32
      %scan3A_269 = arith.constant 2 : i32
      scf.for %scan3A_280 = %scan3A_266 to %scan3A_268 step %scan3A_269  : i32 {
        %get3A = arith.index_cast %scan3A_280 : i32 to index
        %get3A_281 = arith.constant 0 : index
        %get3A_282 = tpu.vector_load %arg10[%get3A, %get3A_281] {strides = array<i32>} : memref<128x128xf32, #tpu.memory_space<vmem>>, vector<1x16xf32>,
        %get3A_283 = vector.shape_cast %get3A_282 : vector<1x16xf32> to vector<16xf32>
        %mul3A_284 = arith.constant 11.3137083 : f32
        %mul3A_285 = vector.broadcast %mul3A_284 : f32 to vector<16xf32>
        %mul3A_286 = arith.mulf %get3A_283, %mul3A_285 : vector<16xf32>
        %swap3A = arith.index_cast %scan3A_280 : i32 to index
        %swap3A_287 = arith.constant 0 : index
        %swap3A_288 = tpu.vector_load %arg10[%swap3A, %swap3A_287] {strides = array<i32>} : memref<128x128xf32, #tpu.memory_space<vmem>>, vector<1x16xf32>,
        %swap3A_289 = vector.shape_cast %swap3A_288 : vector<1x16xf32> to vector<16xf32>
        %swap3A_290 = vector.shape_cast %mul3A_286 : vector<16xf32> to vector<1x16xf32>
        tpu.vector_store %arg10[%swap3A, %swap3A_287], %swap3A_290 {strides = array<i32>} : memref<128x128xf32, #tpu.memory_space<vmem>>, vector<1x16xf32>,
        %get3A_291 = arith.index_cast %scan3A_280 : i32 to index
        %get3A_292 = arith.constant 16 : index
        %get3A_293 = tpu.vector_load %arg10[%get3A_291, %get3A_292] {strides = array<i32>} : memref<128x128xf32, #tpu.memory_space<vmem>>, vector<1x16xf32>,
        %get3A_294 = vector.shape_cast %get3A_293 : vector<1x16xf32> to vector<16xf32>
        %mul3A_295 = arith.constant 11.3137083 : f32
        %mul3A_296 = vector.broadcast %mul3A_295 : f32 to vector<16xf32>
        %mul3A_297 = arith.mulf %get3A_294, %mul3A_296 : vector<16xf32>
        %swap3A_298 = arith.index_cast %scan3A_280 : i32 to index
        %swap3A_299 = arith.constant 16 : index
        %swap3A_300 = tpu.vector_load %arg10[%swap3A_298, %swap3A_299] {strides = array<i32>} : memref<128x128xf32, #tpu.memory_space<vmem>>, vector<1x16xf32>,
        %swap3A_301 = vector.shape_cast %swap3A_300 : vector<1x16xf32> to vector<16xf32>
        %swap3A_302 = vector.shape_cast %mul3A_297 : vector<16xf32> to vector<1x16xf32>
        tpu.vector_store %arg10[%swap3A_298, %swap3A_299], %swap3A_302 {strides = array<i32>} : memref<128x128xf32, #tpu.memory_space<vmem>>, vector<1x16xf32>,
        %get3A_303 = arith.index_cast %scan3A_280 : i32 to index
        %get3A_304 = arith.constant 32 : index
        %get3A_305 = tpu.vector_load %arg10[%get3A_303, %get3A_304] {strides = array<i32>} : memref<128x128xf32, #tpu.memory_space<vmem>>, vector<1x16xf32>,
        %get3A_306 = vector.shape_cast %get3A_305 : vector<1x16xf32> to vector<16xf32>
        %mul3A_307 = arith.constant 11.3137083 : f32
        %mul3A_308 = vector.broadcast %mul3A_307 : f32 to vector<16xf32>
        %mul3A_309 = arith.mulf %get3A_306, %mul3A_308 : vector<16xf32>
        %swap3A_310 = arith.index_cast %scan3A_280 : i32 to index
        %swap3A_311 = arith.constant 32 : index
        %swap3A_312 = tpu.vector_load %arg10[%swap3A_310, %swap3A_311] {strides = array<i32>} : memref<128x128xf32, #tpu.memory_space<vmem>>, vector<1x16xf32>,
        %swap3A_313 = vector.shape_cast %swap3A_312 : vector<1x16xf32> to vector<16xf32>
        %swap3A_314 = vector.shape_cast %mul3A_309 : vector<16xf32> to vector<1x16xf32>
        tpu.vector_store %arg10[%swap3A_310, %swap3A_311], %swap3A_314 {strides = array<i32>} : memref<128x128xf32, #tpu.memory_space<vmem>>, vector<1x16xf32>,
        %get3A_315 = arith.index_cast %scan3A_280 : i32 to index
        %get3A_316 = arith.constant 48 : index
        %get3A_317 = tpu.vector_load %arg10[%get3A_315, %get3A_316] {strides = array<i32>} : memref<128x128xf32, #tpu.memory_space<vmem>>, vector<1x16xf32>,
        %get3A_318 = vector.shape_cast %get3A_317 : vector<1x16xf32> to vector<16xf32>
        %mul3A_319 = arith.constant 11.3137083 : f32
        %mul3A_320 = vector.broadcast %mul3A_319 : f32 to vector<16xf32>
        %mul3A_321 = arith.mulf %get3A_318, %mul3A_320 : vector<16xf32>
        %swap3A_322 = arith.index_cast %scan3A_280 : i32 to index
        %swap3A_323 = arith.constant 48 : index
        %swap3A_324 = tpu.vector_load %arg10[%swap3A_322, %swap3A_323] {strides = array<i32>} : memref<128x128xf32, #tpu.memory_space<vmem>>, vector<1x16xf32>,
        %swap3A_325 = vector.shape_cast %swap3A_324 : vector<1x16xf32> to vector<16xf32>
        %swap3A_326 = vector.shape_cast %mul3A_321 : vector<16xf32> to vector<1x16xf32>
        tpu.vector_store %arg10[%swap3A_322, %swap3A_323], %swap3A_326 {strides = array<i32>} : memref<128x128xf32, #tpu.memory_space<vmem>>, vector<1x16xf32>,
        %get3A_327 = arith.index_cast %scan3A_280 : i32 to index
        %get3A_328 = arith.constant 64 : index
        %get3A_329 = tpu.vector_load %arg10[%get3A_327, %get3A_328] {strides = array<i32>} : memref<128x128xf32, #tpu.memory_space<vmem>>, vector<1x16xf32>,
        %get3A_330 = vector.shape_cast %get3A_329 : vector<1x16xf32> to vector<16xf32>
        %mul3A_331 = arith.constant 11.3137083 : f32
        %mul3A_332 = vector.broadcast %mul3A_331 : f32 to vector<16xf32>
        %mul3A_333 = arith.mulf %get3A_330, %mul3A_332 : vector<16xf32>
        %swap3A_334 = arith.index_cast %scan3A_280 : i32 to index
        %swap3A_335 = arith.constant 64 : index
        %swap3A_336 = tpu.vector_load %arg10[%swap3A_334, %swap3A_335] {strides = array<i32>} : memref<128x128xf32, #tpu.memory_space<vmem>>, vector<1x16xf32>,
        %swap3A_337 = vector.shape_cast %swap3A_336 : vector<1x16xf32> to vector<16xf32>
        %swap3A_338 = vector.shape_cast %mul3A_333 : vector<16xf32> to vector<1x16xf32>
        tpu.vector_store %arg10[%swap3A_334, %swap3A_335], %swap3A_338 {strides = array<i32>} : memref<128x128xf32, #tpu.memory_space<vmem>>, vector<1x16xf32>,
        %get3A_339 = arith.index_cast %scan3A_280 : i32 to index
        %get3A_340 = arith.constant 80 : index
        %get3A_341 = tpu.vector_load %arg10[%get3A_339, %get3A_340] {strides = array<i32>} : memref<128x128xf32, #tpu.memory_space<vmem>>, vector<1x16xf32>,
        %get3A_342 = vector.shape_cast %get3A_341 : vector<1x16xf32> to vector<16xf32>
        %mul3A_343 = arith.constant 11.3137083 : f32
        %mul3A_344 = vector.broadcast %mul3A_343 : f32 to vector<16xf32>
        %mul3A_345 = arith.mulf %get3A_342, %mul3A_344 : vector<16xf32>
        %swap3A_346 = arith.index_cast %scan3A_280 : i32 to index
        %swap3A_347 = arith.constant 80 : index
        %swap3A_348 = tpu.vector_load %arg10[%swap3A_346, %swap3A_347] {strides = array<i32>} : memref<128x128xf32, #tpu.memory_space<vmem>>, vector<1x16xf32>,
        %swap3A_349 = vector.shape_cast %swap3A_348 : vector<1x16xf32> to vector<16xf32>
        %swap3A_350 = vector.shape_cast %mul3A_345 : vector<16xf32> to vector<1x16xf32>
        tpu.vector_store %arg10[%swap3A_346, %swap3A_347], %swap3A_350 {strides = array<i32>} : memref<128x128xf32, #tpu.memory_space<vmem>>, vector<1x16xf32>,
        %get3A_351 = arith.index_cast %scan3A_280 : i32 to index
        %get3A_352 = arith.constant 96 : index
        %get3A_353 = tpu.vector_load %arg10[%get3A_351, %get3A_352] {strides = array<i32>} : memref<128x128xf32, #tpu.memory_space<vmem>>, vector<1x16xf32>,
        %get3A_354 = vector.shape_cast %get3A_353 : vector<1x16xf32> to vector<16xf32>
        %mul3A_355 = arith.constant 11.3137083 : f32
        %mul3A_356 = vector.broadcast %mul3A_355 : f32 to vector<16xf32>
        %mul3A_357 = arith.mulf %get3A_354, %mul3A_356 : vector<16xf32>
        %swap3A_358 = arith.index_cast %scan3A_280 : i32 to index
        %swap3A_359 = arith.constant 96 : index
        %swap3A_360 = tpu.vector_load %arg10[%swap3A_358, %swap3A_359] {strides = array<i32>} : memref<128x128xf32, #tpu.memory_space<vmem>>, vector<1x16xf32>,
        %swap3A_361 = vector.shape_cast %swap3A_360 : vector<1x16xf32> to vector<16xf32>
        %swap3A_362 = vector.shape_cast %mul3A_357 : vector<16xf32> to vector<1x16xf32>
        tpu.vector_store %arg10[%swap3A_358, %swap3A_359], %swap3A_362 {strides = array<i32>} : memref<128x128xf32, #tpu.memory_space<vmem>>, vector<1x16xf32>,
        %get3A_363 = arith.index_cast %scan3A_280 : i32 to index
        %get3A_364 = arith.constant 112 : index
        %get3A_365 = tpu.vector_load %arg10[%get3A_363, %get3A_364] {strides = array<i32>} : memref<128x128xf32, #tpu.memory_space<vmem>>, vector<1x16xf32>,
        %get3A_366 = vector.shape_cast %get3A_365 : vector<1x16xf32> to vector<16xf32>
        %mul3A_367 = arith.constant 11.3137083 : f32
        %mul3A_368 = vector.broadcast %mul3A_367 : f32 to vector<16xf32>
        %mul3A_369 = arith.mulf %get3A_366, %mul3A_368 : vector<16xf32>
        %swap3A_370 = arith.index_cast %scan3A_280 : i32 to index
        %swap3A_371 = arith.constant 112 : index
        %swap3A_372 = tpu.vector_load %arg10[%swap3A_370, %swap3A_371] {strides = array<i32>} : memref<128x128xf32, #tpu.memory_space<vmem>>, vector<1x16xf32>,
        %swap3A_373 = vector.shape_cast %swap3A_372 : vector<1x16xf32> to vector<16xf32>
        %swap3A_374 = vector.shape_cast %mul3A_369 : vector<16xf32> to vector<1x16xf32>
        tpu.vector_store %arg10[%swap3A_370, %swap3A_371], %swap3A_374 {strides = array<i32>} : memref<128x128xf32, #tpu.memory_space<vmem>>, vector<1x16xf32>,
        %scan3A_375 = arith.constant 1 : i32
        %scan3A_376 = arith.addi %scan3A_280, %scan3A_375 : i32
        %get3A_377 = arith.index_cast %scan3A_376 : i32 to index
        %get3A_378 = arith.constant 0 : index
        %get3A_379 = tpu.vector_load %arg10[%get3A_377, %get3A_378] {strides = array<i32>} : memref<128x128xf32, #tpu.memory_space<vmem>>, vector<1x16xf32>,
        %get3A_380 = vector.shape_cast %get3A_379 : vector<1x16xf32> to vector<16xf32>
        %mul3A_381 = arith.constant 11.3137083 : f32
        %mul3A_382 = vector.broadcast %mul3A_381 : f32 to vector<16xf32>
        %mul3A_383 = arith.mulf %get3A_380, %mul3A_382 : vector<16xf32>
        %swap3A_384 = arith.index_cast %scan3A_376 : i32 to index
        %swap3A_385 = arith.constant 0 : index
        %swap3A_386 = tpu.vector_load %arg10[%swap3A_384, %swap3A_385] {strides = array<i32>} : memref<128x128xf32, #tpu.memory_space<vmem>>, vector<1x16xf32>,
        %swap3A_387 = vector.shape_cast %swap3A_386 : vector<1x16xf32> to vector<16xf32>
        %swap3A_388 = vector.shape_cast %mul3A_383 : vector<16xf32> to vector<1x16xf32>
        tpu.vector_store %arg10[%swap3A_384, %swap3A_385], %swap3A_388 {strides = array<i32>} : memref<128x128xf32, #tpu.memory_space<vmem>>, vector<1x16xf32>,
        %get3A_389 = arith.index_cast %scan3A_376 : i32 to index
        %get3A_390 = arith.constant 16 : index
        %get3A_391 = tpu.vector_load %arg10[%get3A_389, %get3A_390] {strides = array<i32>} : memref<128x128xf32, #tpu.memory_space<vmem>>, vector<1x16xf32>,
        %get3A_392 = vector.shape_cast %get3A_391 : vector<1x16xf32> to vector<16xf32>
        %mul3A_393 = arith.constant 11.3137083 : f32
        %mul3A_394 = vector.broadcast %mul3A_393 : f32 to vector<16xf32>
        %mul3A_395 = arith.mulf %get3A_392, %mul3A_394 : vector<16xf32>
        %swap3A_396 = arith.index_cast %scan3A_376 : i32 to index
        %swap3A_397 = arith.constant 16 : index
        %swap3A_398 = tpu.vector_load %arg10[%swap3A_396, %swap3A_397] {strides = array<i32>} : memref<128x128xf32, #tpu.memory_space<vmem>>, vector<1x16xf32>,
        %swap3A_399 = vector.shape_cast %swap3A_398 : vector<1x16xf32> to vector<16xf32>
        %swap3A_400 = vector.shape_cast %mul3A_395 : vector<16xf32> to vector<1x16xf32>
        tpu.vector_store %arg10[%swap3A_396, %swap3A_397], %swap3A_400 {strides = array<i32>} : memref<128x128xf32, #tpu.memory_space<vmem>>, vector<1x16xf32>,
        %get3A_401 = arith.index_cast %scan3A_376 : i32 to index
        %get3A_402 = arith.constant 32 : index
        %get3A_403 = tpu.vector_load %arg10[%get3A_401, %get3A_402] {strides = array<i32>} : memref<128x128xf32, #tpu.memory_space<vmem>>, vector<1x16xf32>,
        %get3A_404 = vector.shape_cast %get3A_403 : vector<1x16xf32> to vector<16xf32>
        %mul3A_405 = arith.constant 11.3137083 : f32
        %mul3A_406 = vector.broadcast %mul3A_405 : f32 to vector<16xf32>
        %mul3A_407 = arith.mulf %get3A_404, %mul3A_406 : vector<16xf32>
        %swap3A_408 = arith.index_cast %scan3A_376 : i32 to index
        %swap3A_409 = arith.constant 32 : index
        %swap3A_410 = tpu.vector_load %arg10[%swap3A_408, %swap3A_409] {strides = array<i32>} : memref<128x128xf32, #tpu.memory_space<vmem>>, vector<1x16xf32>,
        %swap3A_411 = vector.shape_cast %swap3A_410 : vector<1x16xf32> to vector<16xf32>
        %swap3A_412 = vector.shape_cast %mul3A_407 : vector<16xf32> to vector<1x16xf32>
        tpu.vector_store %arg10[%swap3A_408, %swap3A_409], %swap3A_412 {strides = array<i32>} : memref<128x128xf32, #tpu.memory_space<vmem>>, vector<1x16xf32>,
        %get3A_413 = arith.index_cast %scan3A_376 : i32 to index
        %get3A_414 = arith.constant 48 : index
        %get3A_415 = tpu.vector_load %arg10[%get3A_413, %get3A_414] {strides = array<i32>} : memref<128x128xf32, #tpu.memory_space<vmem>>, vector<1x16xf32>,
        %get3A_416 = vector.shape_cast %get3A_415 : vector<1x16xf32> to vector<16xf32>
        %mul3A_417 = arith.constant 11.3137083 : f32
        %mul3A_418 = vector.broadcast %mul3A_417 : f32 to vector<16xf32>
        %mul3A_419 = arith.mulf %get3A_416, %mul3A_418 : vector<16xf32>
        %swap3A_420 = arith.index_cast %scan3A_376 : i32 to index
        %swap3A_421 = arith.constant 48 : index
        %swap3A_422 = tpu.vector_load %arg10[%swap3A_420, %swap3A_421] {strides = array<i32>} : memref<128x128xf32, #tpu.memory_space<vmem>>, vector<1x16xf32>,
        %swap3A_423 = vector.shape_cast %swap3A_422 : vector<1x16xf32> to vector<16xf32>
        %swap3A_424 = vector.shape_cast %mul3A_419 : vector<16xf32> to vector<1x16xf32>
        tpu.vector_store %arg10[%swap3A_420, %swap3A_421], %swap3A_424 {strides = array<i32>} : memref<128x128xf32, #tpu.memory_space<vmem>>, vector<1x16xf32>,
        %get3A_425 = arith.index_cast %scan3A_376 : i32 to index
        %get3A_426 = arith.constant 64 : index
        %get3A_427 = tpu.vector_load %arg10[%get3A_425, %get3A_426] {strides = array<i32>} : memref<128x128xf32, #tpu.memory_space<vmem>>, vector<1x16xf32>,
        %get3A_428 = vector.shape_cast %get3A_427 : vector<1x16xf32> to vector<16xf32>
        %mul3A_429 = arith.constant 11.3137083 : f32
        %mul3A_430 = vector.broadcast %mul3A_429 : f32 to vector<16xf32>
        %mul3A_431 = arith.mulf %get3A_428, %mul3A_430 : vector<16xf32>
        %swap3A_432 = arith.index_cast %scan3A_376 : i32 to index
        %swap3A_433 = arith.constant 64 : index
        %swap3A_434 = tpu.vector_load %arg10[%swap3A_432, %swap3A_433] {strides = array<i32>} : memref<128x128xf32, #tpu.memory_space<vmem>>, vector<1x16xf32>,
        %swap3A_435 = vector.shape_cast %swap3A_434 : vector<1x16xf32> to vector<16xf32>
        %swap3A_436 = vector.shape_cast %mul3A_431 : vector<16xf32> to vector<1x16xf32>
        tpu.vector_store %arg10[%swap3A_432, %swap3A_433], %swap3A_436 {strides = array<i32>} : memref<128x128xf32, #tpu.memory_space<vmem>>, vector<1x16xf32>,
        %get3A_437 = arith.index_cast %scan3A_376 : i32 to index
        %get3A_438 = arith.constant 80 : index
        %get3A_439 = tpu.vector_load %arg10[%get3A_437, %get3A_438] {strides = array<i32>} : memref<128x128xf32, #tpu.memory_space<vmem>>, vector<1x16xf32>,
        %get3A_440 = vector.shape_cast %get3A_439 : vector<1x16xf32> to vector<16xf32>
        %mul3A_441 = arith.constant 11.3137083 : f32
        %mul3A_442 = vector.broadcast %mul3A_441 : f32 to vector<16xf32>
        %mul3A_443 = arith.mulf %get3A_440, %mul3A_442 : vector<16xf32>
        %swap3A_444 = arith.index_cast %scan3A_376 : i32 to index
        %swap3A_445 = arith.constant 80 : index
        %swap3A_446 = tpu.vector_load %arg10[%swap3A_444, %swap3A_445] {strides = array<i32>} : memref<128x128xf32, #tpu.memory_space<vmem>>, vector<1x16xf32>,
        %swap3A_447 = vector.shape_cast %swap3A_446 : vector<1x16xf32> to vector<16xf32>
        %swap3A_448 = vector.shape_cast %mul3A_443 : vector<16xf32> to vector<1x16xf32>
        tpu.vector_store %arg10[%swap3A_444, %swap3A_445], %swap3A_448 {strides = array<i32>} : memref<128x128xf32, #tpu.memory_space<vmem>>, vector<1x16xf32>,
        %get3A_449 = arith.index_cast %scan3A_376 : i32 to index
        %get3A_450 = arith.constant 96 : index
        %get3A_451 = tpu.vector_load %arg10[%get3A_449, %get3A_450] {strides = array<i32>} : memref<128x128xf32, #tpu.memory_space<vmem>>, vector<1x16xf32>,
        %get3A_452 = vector.shape_cast %get3A_451 : vector<1x16xf32> to vector<16xf32>
        %mul3A_453 = arith.constant 11.3137083 : f32
        %mul3A_454 = vector.broadcast %mul3A_453 : f32 to vector<16xf32>
        %mul3A_455 = arith.mulf %get3A_452, %mul3A_454 : vector<16xf32>
        %swap3A_456 = arith.index_cast %scan3A_376 : i32 to index
        %swap3A_457 = arith.constant 96 : index
        %swap3A_458 = tpu.vector_load %arg10[%swap3A_456, %swap3A_457] {strides = array<i32>} : memref<128x128xf32, #tpu.memory_space<vmem>>, vector<1x16xf32>,
        %swap3A_459 = vector.shape_cast %swap3A_458 : vector<1x16xf32> to vector<16xf32>
        %swap3A_460 = vector.shape_cast %mul3A_455 : vector<16xf32> to vector<1x16xf32>
        tpu.vector_store %arg10[%swap3A_456, %swap3A_457], %swap3A_460 {strides = array<i32>} : memref<128x128xf32, #tpu.memory_space<vmem>>, vector<1x16xf32>,
        %get3A_461 = arith.index_cast %scan3A_376 : i32 to index
        %get3A_462 = arith.constant 112 : index
        %get3A_463 = tpu.vector_load %arg10[%get3A_461, %get3A_462] {strides = array<i32>} : memref<128x128xf32, #tpu.memory_space<vmem>>, vector<1x16xf32>,
        %get3A_464 = vector.shape_cast %get3A_463 : vector<1x16xf32> to vector<16xf32>
        %mul3A_465 = arith.constant 11.3137083 : f32
        %mul3A_466 = vector.broadcast %mul3A_465 : f32 to vector<16xf32>
        %mul3A_467 = arith.mulf %get3A_464, %mul3A_466 : vector<16xf32>
        %swap3A_468 = arith.index_cast %scan3A_376 : i32 to index
        %swap3A_469 = arith.constant 112 : index
        %swap3A_470 = tpu.vector_load %arg10[%swap3A_468, %swap3A_469] {strides = array<i32>} : memref<128x128xf32, #tpu.memory_space<vmem>>, vector<1x16xf32>,
        %swap3A_471 = vector.shape_cast %swap3A_470 : vector<1x16xf32> to vector<16xf32>
        %swap3A_472 = vector.shape_cast %mul3A_467 : vector<16xf32> to vector<1x16xf32>
        tpu.vector_store %arg10[%swap3A_468, %swap3A_469], %swap3A_472 {strides = array<i32>} : memref<128x128xf32, #tpu.memory_space<vmem>>, vector<1x16xf32>,
      }
      %scan3A_270 = arith.constant 128 : i32
      %mul3A_271 = arith.constant 6400 : i32
      %mul3A_272 = arith.muli %add3A, %mul3A_271 : i32
      %mul3A_273 = arith.constant 128 : i32
      %mul3A_274 = arith.muli %add3A_243, %mul3A_273 : i32
      %add3A_275 = arith.addi %mul3A_272, %mul3A_274 : i32
      %dma_start3A_276 = arith.constant 0 : i32
      %dma_start3A_277 = tpu.memref_slice %arg4[%add3A_275, %dma_start3A_276] : memref<204800x128xf32, #tpu.memory_space<hbm>> -> memref<128x128xf32, #tpu.memory_space<hbm>>
      %dma_start3A_278 = arith.constant 0 : i32
      %dma_start3A_279 = tpu.memref_slice %arg4[%add3A_275, %dma_start3A_278] : memref<204800x128xf32, #tpu.memory_space<hbm>> -> memref<128x128xf32, #tpu.memory_space<hbm>>
      tpu.enqueue_dma source(%arg10 : memref<128x128xf32, #tpu.memory_space<vmem>>) target(%dma_start3A_279 : memref<128x128xf32, #tpu.memory_space<hbm>>) target_semaphore(%arg20 : memref<!tpu.dma_semaphore, #tpu.memory_space<semaphore_mem>>)
    }
    %scan3A_52 = arith.constant 10 : i32
    %dma_wait3A = arith.constant 0 : i32
    %dma_wait3A_53 = arith.constant 0 : i32
    %dma_wait3A_54 = tpu.memref_slice %arg4[%dma_wait3A, %dma_wait3A_53] : memref<204800x128xf32, #tpu.memory_space<hbm>> -> memref<128x128xf32, #tpu.memory_space<hbm>>
    %dma_wait3A_55 = arith.constant 0 : i32
    %dma_wait3A_56 = arith.constant 0 : i32
    %dma_wait3A_57 = tpu.memref_slice %arg4[%dma_wait3A_55, %dma_wait3A_56] : memref<204800x128xf32, #tpu.memory_space<hbm>> -> memref<128x128xf32, #tpu.memory_space<hbm>>
    tpu.wait_dma2 semaphore(%arg16 : memref<!tpu.dma_semaphore, #tpu.memory_space<semaphore_mem>>) src(%arg6 : memref<128x128xf32, #tpu.memory_space<vmem>>) dst(%dma_wait3A_57 : memref<128x128xf32, #tpu.memory_space<hbm>>)
    %dma_wait3A_58 = arith.constant 0 : i32
    %dma_wait3A_59 = arith.constant 0 : i32
    %dma_wait3A_60 = tpu.memref_slice %arg4[%dma_wait3A_58, %dma_wait3A_59] : memref<204800x128xf32, #tpu.memory_space<hbm>> -> memref<128x128xf32, #tpu.memory_space<hbm>>
    %dma_wait3A_61 = arith.constant 0 : i32
    %dma_wait3A_62 = arith.constant 0 : i32
    %dma_wait3A_63 = tpu.memref_slice %arg4[%dma_wait3A_61, %dma_wait3A_62] : memref<204800x128xf32, #tpu.memory_space<hbm>> -> memref<128x128xf32, #tpu.memory_space<hbm>>
    tpu.wait_dma2 semaphore(%arg17 : memref<!tpu.dma_semaphore, #tpu.memory_space<semaphore_mem>>) src(%arg7 : memref<128x128xf32, #tpu.memory_space<vmem>>) dst(%dma_wait3A_63 : memref<128x128xf32, #tpu.memory_space<hbm>>)
    %dma_wait3A_64 = arith.constant 0 : i32
    %dma_wait3A_65 = arith.constant 0 : i32
    %dma_wait3A_66 = tpu.memref_slice %arg4[%dma_wait3A_64, %dma_wait3A_65] : memref<204800x128xf32, #tpu.memory_space<hbm>> -> memref<128x128xf32, #tpu.memory_space<hbm>>
    %dma_wait3A_67 = arith.constant 0 : i32
    %dma_wait3A_68 = arith.constant 0 : i32
    %dma_wait3A_69 = tpu.memref_slice %arg4[%dma_wait3A_67, %dma_wait3A_68] : memref<204800x128xf32, #tpu.memory_space<hbm>> -> memref<128x128xf32, #tpu.memory_space<hbm>>
    tpu.wait_dma2 semaphore(%arg18 : memref<!tpu.dma_semaphore, #tpu.memory_space<semaphore_mem>>) src(%arg8 : memref<128x128xf32, #tpu.memory_space<vmem>>) dst(%dma_wait3A_69 : memref<128x128xf32, #tpu.memory_space<hbm>>)
    %dma_wait3A_70 = arith.constant 0 : i32
    %dma_wait3A_71 = arith.constant 0 : i32
    %dma_wait3A_72 = tpu.memref_slice %arg4[%dma_wait3A_70, %dma_wait3A_71] : memref<204800x128xf32, #tpu.memory_space<hbm>> -> memref<128x128xf32, #tpu.memory_space<hbm>>
    %dma_wait3A_73 = arith.constant 0 : i32
    %dma_wait3A_74 = arith.constant 0 : i32
    %dma_wait3A_75 = tpu.memref_slice %arg4[%dma_wait3A_73, %dma_wait3A_74] : memref<204800x128xf32, #tpu.memory_space<hbm>> -> memref<128x128xf32, #tpu.memory_space<hbm>>
    tpu.wait_dma2 semaphore(%arg19 : memref<!tpu.dma_semaphore, #tpu.memory_space<semaphore_mem>>) src(%arg9 : memref<128x128xf32, #tpu.memory_space<vmem>>) dst(%dma_wait3A_75 : memref<128x128xf32, #tpu.memory_space<hbm>>)
    %dma_wait3A_76 = arith.constant 0 : i32
    %dma_wait3A_77 = arith.constant 0 : i32
    %dma_wait3A_78 = tpu.memref_slice %arg4[%dma_wait3A_76, %dma_wait3A_77] : memref<204800x128xf32, #tpu.memory_space<hbm>> -> memref<128x128xf32, #tpu.memory_space<hbm>>
    %dma_wait3A_79 = arith.constant 0 : i32
    %dma_wait3A_80 = arith.constant 0 : i32
    %dma_wait3A_81 = tpu.memref_slice %arg4[%dma_wait3A_79, %dma_wait3A_80] : memref<204800x128xf32, #tpu.memory_space<hbm>> -> memref<128x128xf32, #tpu.memory_space<hbm>>
    tpu.wait_dma2 semaphore(%arg20 : memref<!tpu.dma_semaphore, #tpu.memory_space<semaphore_mem>>) src(%arg10 : memref<128x128xf32, #tpu.memory_space<vmem>>) dst(%dma_wait3A_81 : memref<128x128xf32, #tpu.memory_space<hbm>>)
    return
  }
}

</mosaic_0001>

<sc_bundles>
// kernel: kernel.3.cloned.1.call-start
scs
__scs_entry_jumppad:
0x0: {  	(pc) =	sbr.rel $0x88, $3  }
0x1: {  	(tag) =	ssettag $0x0;
	lr =	simm.s32 $0x1  }
0x2: {  	[smem:$0x3F9F] =	sst lr;
	_ =	strace $0xD0000000  }
0x3: {  	_ = 	snop  }
0x4: {  	_ = 	snop  }
0x5: {  	_ = 	snop  }
0x6: {  	_ = 	snop  }
0x7: {  	_ = 	snop  }
__scs_overlays_trampoline_lowered:
0x8: {  	[smem:$0x3FAE] =	sst s0  }
0x9: {  	[smem:$0x3FAF] =	sst s1  }
0xa: {  	[smem:$0x3FB0] =	sst s2  }
0xb: {  	[smem:$0x3FB1] =	sst s3  }
0xc: {  	[smem:$0x3FB2] =	sst s4  }
0xd: {  	[smem:$0x3FB3] =	sst s5  }
0xe: {  	[smem:$0x3FB4] =	sst s6  }
0xf: {  	[smem:$0x3FB5] =	sst s7  }
0x10: {  	[smem:$0x3FB6] =	sst s8  }
0x11: {  	[smem:$0x3FB7] =	sst s9;
	s0 =	simm.s32 @!p0 $0x0  }
0x12: {  	s1 =	sld [smem:$0x3F9D];
	s0 =	simm.s32 @p0 $0x1  }
0x13: {  	[smem:$0x3FB8] =	sst s0;
	s0 =	simm.s32 @!p1 $0x0  }
0x14: {  	s2 =	sld [smem:$0x3F9C];
	s0 =	simm.s32 @p1 $0x1  }
0x15: {  	[smem:$0x3FB9] =	sst s0;
	s0 =	simm.s32 @!p2 $0x0  }
0x16: {  	s3 =	sld [smem:$0x3FDB];
	s0 =	simm.s32 @p2 $0x1  }
0x17: {  	s4 =	simm.s32 $0x1BF5;
	[smem:$0x3FBB] =	sst s0  }
0x18: {  	s0 =	sld [smem:$0x3F9E];
	_ =	swait.ge [sflag:s4], $0x0  }
0x19: {  	s7 =	sld [smem:$0x3F9F]  }
0x1a: {  	s8 =	sadd.s32 $0xFFFFE003, lr  }
0x1b: {  	s9 =	sadd.s32 $0xFFFFFEF7, lr;
	s5 =	simm.s32 $0xFFFFFFFF;
	p2 =	slt.u32 s8, $0xFFFFF086  }
0x1c: {  	p1 =	slt.u32 s9, $0xF7A;
	s5 =	simm.s32 @!p2 $0x0  }
0x1d: {  	s5 =	simm.s32 @p1 $0x1;
	p0 =	seq.s32 s7, s2  }
0x1e: {  	s7 =	smul.u32 @!p0 $0xF7A, s2;
	p2 =	seq.s32 @!p0 s5, $0x0  }
0x1f: {  	s9 =	smul.u32 $0xF7A, s1;
	s8 =	simm.s32 @!p0 $0x1BF5;
	p2 =	por !p2, p0  }
0x20: {  	[sflag:s8] =	ssyncset.s32 @!p0 $0xFFFFF086;
	s6 =	sadd.s32 @!p0 s3, s7;
	s7 =	simm.s32 @!p0 $0x108  }
0x21: {  	s3 =	sadd.s32 s3, s9;
	s6 =	sadd.s32 @!p0 $0x88, s6;
	s7 =	simm.s32 @p2 $0x1082  }
0x22: {  	[simem:s7], [sflag:s8] =	dma.local @!p0 [hbm:s6], $0xF7A  }
0x23: {  	s9 =	sor.u32 $0xD0000000, s2;
	s6 =	simm.s32 $0x108;
	_ =	swait.ge @!p0 [sflag:s8], $0x0  }
0x24: {  	s3 =	sadd.s32 $0x88, s3;
	s6 =	simm.s32 @!p1 $0x1082;
	[sflag:s4] =	ssyncset.s32 $0xFFFFF086  }
0x25: {  	[simem:s6], [sflag:s4] =	dma.local [hbm:s3], $0xF7A  }
0x26: {  	[smem:$0x3F9F] =	sst s1;
	(tag) =	ssettag s2;
	_ =	strace s9  }
0x27: {  	s1 =	sld [smem:$0x3FAF]  }
0x28: {  	s2 =	sld [smem:$0x3FB0]  }
0x29: {  	s4 =	sld [smem:$0x3FB2]  }
0x2a: {  	p0 =	seq.s32 s5, $0x0;
	s5 =	sld [smem:$0x3FB3]  }
0x2b: {  	s6 =	sld [smem:$0x3FB4]  }
0x2c: {  	s7 =	sld [smem:$0x3FB5]  }
0x2d: {  	s3 =	simm.s32 $0x108;
	s8 =	sld [smem:$0x3FB6]  }
0x2e: {  	s3 =	simm.s32 @!p0 $0x1082;
	s9 =	sld [smem:$0x3FB7]  }
0x2f: {  	lr =	sadd.s32 s0, s3;
	s0 =	sld [smem:$0x3FAE]  }
0x30: {  	s3 =	sld [smem:$0x3FB1]  }
0x31: {  	[smem:$0x3FBA] =	sst s10  }
0x32: {  	s10 =	sld [smem:$0x3FB8];
	_ =	sdelay $0x3  }
0x33: {  	p0 =	seq.s32 s10, $0x1;
	s10 =	sld [smem:$0x3FBA];
	_ =	sdelay $0x3  }
0x34: {  	[smem:$0x3FBA] =	sst s10  }
0x35: {  	s10 =	sld [smem:$0x3FB9];
	_ =	sdelay $0x3  }
0x36: {  	p1 =	seq.s32 s10, $0x1;
	s10 =	sld [smem:$0x3FBA];
	_ =	sdelay $0x3  }
0x37: {  	[smem:$0x3FBA] =	sst s10  }
0x38: {  	s10 =	sld [smem:$0x3FBB]  }
0x39: {  	_ = 	snop;
	(pc) =	sbr.ind lr, $3  }
0x3a: {  	_ = 	snop  }
0x3b: {  	_ = 	snop  }
0x3c: {  	p2 =	seq.s32 s10, $0x1;
	s10 =	sld [smem:$0x3FBA]  }
0x3d: {  	_ =	shalt  }
0x3e: {  	_ =	shalt  }
0x3f: {  	_ =	shalt  }
0x40: {  	_ =	shalt  }
0x41: {  	_ =	shalt  }
0x42: {  	_ =	shalt  }
0x43: {  	_ =	shalt  }
0x44: {  	_ =	shalt  }
0x45: {  	_ =	shalt  }
0x46: {  	_ =	shalt  }
0x47: {  	_ =	shalt  }
0x48: {  	_ =	shalt  }
0x49: {  	_ =	shalt  }
0x4a: {  	_ =	shalt  }
0x4b: {  	_ =	shalt  }
0x4c: {  	_ =	shalt  }
0x4d: {  	_ =	shalt  }
0x4e: {  	_ =	shalt  }
0x4f: {  	_ =	shalt  }
0x50: {  	_ =	shalt  }
0x51: {  	_ =	shalt  }
0x52: {  	_ =	shalt  }
0x53: {  	_ =	shalt  }
0x54: {  	_ =	shalt  }
0x55: {  	_ =	shalt  }
0x56: {  	_ =	shalt  }
0x57: {  	_ =	shalt  }
0x58: {  	_ =	shalt  }
0x59: {  	_ =	shalt  }
0x5a: {  	_ =	shalt  }
0x5b: {  	_ =	shalt  }
0x5c: {  	_ =	shalt  }
0x5d: {  	_ =	shalt  }
0x5e: {  	_ =	shalt  }
0x5f: {  	_ =	shalt  }
0x60: {  	_ =	shalt  }
0x61: {  	_ =	shalt  }
0x62: {  	_ =	shalt  }
0x63: {  	_ =	shalt  }
0x64: {  	_ =	shalt  }
0x65: {  	_ =	shalt  }
0x66: {  	_ =	shalt  }
0x67: {  	_ =	shalt  }
0x68: {  	_ =	shalt  }
0x69: {  	_ =	shalt  }
0x6a: {  	_ =	shalt  }
0x6b: {  	_ =	shalt  }
0x6c: {  	_ =	shalt  }
0x6d: {  	_ =	shalt  }
0x6e: {  	_ =	shalt  }
0x6f: {  	_ =	shalt  }
0x70: {  	_ =	shalt  }
0x71: {  	_ =	shalt  }
0x72: {  	_ =	shalt  }
0x73: {  	_ =	shalt  }
0x74: {  	_ =	shalt  }
0x75: {  	_ =	shalt  }
0x76: {  	_ =	shalt  }
0x77: {  	_ =	shalt  }
0x78: {  	_ =	shalt  }
0x79: {  	_ =	shalt  }
0x7a: {  	_ =	shalt  }
0x7b: {  	_ =	shalt  }
0x7c: {  	_ =	shalt  }
0x7d: {  	_ =	shalt  }
0x7e: {  	_ =	shalt  }
0x7f: {  	_ =	shalt  }
0x80: {  	_ =	shalt  }
0x81: {  	_ =	shalt  }
0x82: {  	_ =	shalt  }
0x83: {  	_ =	shalt  }
0x84: {  	_ =	shalt  }
0x85: {  	_ =	shalt  }
0x86: {  	_ =	shalt  }
0x87: {  	_ =	shalt  }
.Lfunc_end0:
.L_simem_size_0:
called_computation_lowered:
.L_overlay_start_0:
0x88: {  	s2 =	sld [smem:$0x3FD9]  }
0x89: {  	s3 =	sld [smem:$0x3FFE];
	_ =	sdelay $0x1  }
0x8a: {  	s1 =	srdreg.scid  }
0x8b: {  	s0 =	sand.u32 $0x1, s1  }
0x8c: {  	s17 =	sshll.u32 s0, $0xA;
	s2 =	sadd.s32 s3, s2  }
0x8d: {  	s2 =	sadd.s32 s2, s17  }
0x8e: {  	[smem:$0x3FC6] =	sst s2  }
0x8f: {  	_ = 	snop  }
0x90: {  	s2 =	sld [smem:$0x3FC8]  }
0x91: {  	s18 =	sld [smem:$0x3FD0];
	(tm) =	ssettm $0x1  }
0x92: {  	s4 =	sld [smem:$0x3FFB];
	_ =	sdelay $0x3  }
0x93: {  	_ =	strace s4  }
0x94: {  	s4 =	sld [smem:$0x3FFC];
	_ =	sdelay $0x3  }
0x95: {  	_ =	strace s4  }
0x96: {  	s4 =	sld [smem:$0x3FFD];
	_ =	sdelay $0x3  }
0x97: {  	_ =	strace s4  }
0x98: {  	_ =	strace $0x8FFFFFFF  }
0x99: {  	s19 =	sld [smem:$0x3FDB];
	_ =	sdelay $0x1  }
0x9a: {  	s5 =	simm.s32 $_scs_section_size  }
0x9b: {  	s6 =	simm.s32 $_size__tile_overlayer_lowered;
	s7 =	simm.s32 $_tile_overlayer_lowered  }
0x9c: {  	s22 =	simm.s32 $0x1BFF;
	s21 =	sshll.u32 s7, $0x1;
	s4 =	sadd.s32 s5, s19  }
0x9d: {  	s8 =	simm.s32 $0x0;
	s20 =	sshll.u32 s6, $0x1;
	s6 =	sadd.s32 s21, s4  }
0x9e: {  	[timem:s8], [sflag:s22] =	dma.local [hbm:s6], s20  }
0x9f: {  	_ =	swait.ge [sflag:s22], s20  }
0xa0: {  	s5 =	ssub.s32 $0x0, s20;
	[sflag:s22] =	ssyncset.done $0x0  }
0xa1: {  	[sflag:s22] =	ssyncadd.s32 s5;
	_ =	sdelay $0x1  }
0xa2: {  	s23 =	simm.s32 $0x1B8B  }
0xa3: {  	_ =	swait.ge [sflag:s23], $0x1  }
0xa4: {  	[sflag:s23] =	ssyncset.done $0x0  }
0xa5: {  	s25 =	simm.s32 $0x1B8E;
	s24 =	sld [smem:$0x3FFE];
	[sflag:s23] =	ssyncadd.s32 $0xFFFFFFFF  }
0xa6: {  	s26 =	simm.s32 $execute0_lowered;
	[smem:$0x3FD2] =	sst s25  }
0xa7: {  	s6 =	sshll.u32 s26, $0x1;
	_ =	strace $0x80000046;
	[dreg:$0x1] =	wrdreg $0xFFFFFFFF  }
0xa8: {  	s28 =	simm.s32 $_size_execute0_lowered;
	s4 =	sadd.s32 s4, s6;
	[dreg:$0x0] =	wrdreg $0x0  }
0xa9: {  	s6 =	sshll.u32 s28, $0x1;
	[dreg:$0x2] =	wrdreg s4  }
0xaa: {  	[dreg:$0x3] =	wrdreg s6  }
0xab: {  	[dreg:$0x4] =	wrdreg $0xC0  }
0xac: {  	_ =	task [dreg:s8], $0x5FFFF  }
0xad: {  	[dreg:$0x1] =	wrdreg $0xFFFFFFFF  }
0xae: {  	[dreg:$0x0] =	wrdreg $0x60  }
0xaf: {  	[dreg:$0x2] =	wrdreg s24  }
0xb0: {  	[dreg:$0x3] =	wrdreg s2  }
0xb1: {  	[dreg:$0x4] =	wrdreg s18  }
0xb2: {  	[dreg:$0x5] =	wrdreg $0x9  }
0xb3: {  	_ =	task.clear_ibuf [dreg:s8], $0x6FFFF;
	_ =	strace $0x90000046  }
0xb4: {  	s29 =	simm.s32 $0x9;
	_ =	strace $0x80000048  }
0xb5: {  	_ =	swait.ge [sflag:s29], $0x1  }
0xb6: {  	[sflag:s29] =	ssyncadd.s32 $0xFFFFFFFF  }
0xb7: {  	_ =	strace $0x90000048  }
0xb8: {  	_ =	sfence  }
0xb9: {  	s30 =	sld [smem:$0x0];
	_ =	sdelay $0x2  }
0xba: {  	s31 =	sshll.u32 s1, $0xD;
	s1 =	sshrl.u32 s1, $0x2  }
0xbb: {  	s3 =	sand.u32 $0x4000, s31;
	s1 =	sadd.s32 s1, s30  }
0xbc: {  	s0 =	sor.u32 s3, s0;
	s1 =	sshll.u32 s1, $0x11  }
0xbd: {  	s0 =	sor.u32 s1, s0  }
0xbe: {  	s0 =	sadd.s32 $0x8F2B, s0  }
0xbf: {  	[sflag:s0] =	ssyncadd.remote.s32 $0x1  }
0xc0: {  	_ =	sfence.sel $0xFFFF  }
0xc1: {  	[dreg:$0x0] =	wrdreg $0xFFFFFFFF;
	(pc) =	sbr.abs _section_cstart, $3  }
0xc2: {  	[dreg:$0x1] =	wrdreg $0xFFFFFFFF  }
0xc3: {  	_ =	task.clear_ibuf [dreg:s8], $0x2FFFF;
	_ =	strace $0x9FFFFFFF  }
0xc4: {  	(tm) =	ssettm $0x7FFFFFFF  }
0xc5: {  	_ =	shalt  }
tec
execute0_lowered:
.L_overlay_start_1:
0x0: {  	(tag) =	ssettag $0x1  }
0x1: {  	s0 =	rddreg [dreg:$0x0]  }
0x2: {  	s1 =	srdreg.scid;
	s3 =	stileid.u32  }
0x3: {  	s2 =	rddreg [dreg:$0x1];
	s13 =	simm.s32 $0x80;
	s14 =	simm.s32 $0x1900  }
0x4: {  	s15 =	simm.s32 $0x5900;
	s17 =	simm.s32 $0x9900;
	s19 =	simm.s32 $0xD900  }
0x5: {  	s20 =	simm.s32 $0x11900;
	s21 =	simm.s32 $0x1;
	s22 =	simm.s32 $0x2  }
0x6: {  	s23 =	simm.s32 $0x3;
	s24 =	simm.s32 $0x4;
	s28 =	simm.s32 $0x7  }
0x7: {  	s29 =	simm.s32 $0x8;
	s30 =	simm.s32 $0x9;
	s31 =	simm.s32 $0xA  }
0x8: {  	s1 =	sand.u32 $0x1, s1;
	s4 =	sshll.u32 s3, $0x1;
	s3 =	rddreg [dreg:$0x2]  }
0x9: {  	s6 =	sor.u32 s1, s4;
	s4 =	simm.s32 $0x0;
	s1 =	ssub.s32 $0x2, s1  }
0xa: {  	s5 =	smul.u32 $0x1900, s6;
	[smem:$0x7FF] =	sst s4;
	s25 =	sshrl.u32 s1, $0x1  }
0xb: {  	s6 =	smul.u32 $0xC8000, s6;
	_ =	strace $0x80000047;
	s1 =	ssub.s32 s1, s25  }
0xc: {  	s25 =	simm.s32 $0x5;
	s7 =	sshrl.u32 s5, $0x3;
	s8 =	sadd.s32 $0x100, s5  }
0xd: {  	s9 =	sadd.s32 $0x180, s5;
	s26 =	smax.u32 s1, $0x1;
	s0 =	sadd.s32 s7, s0  }
0xe: {  	s10 =	sadd.s32 $0x10000, s6;
	[dreg:$0x5] =	wrdreg s26;
	s0 =	sadd.s32 $0x400, s0  }
0xf: {  	s1 =	simm.s32 $0x0;
	s7 =	sor.u32 $0x80, s5;
	[dreg:$0x4] =	wrdreg s0  }
.LBB2_1:
0x10: {  	s0 =	rddreg [dreg:$0x4];
	s16 =	simm.s32 $0xB  }
0x11: {  	[tilespmem:s4], [sflag:$0xB] =	stream.linear.gather [hbm4b:s0+s4], $0x1900, $0x38;
	[tilespmem:$0x15900] =	vst v63  }
0x12: {  	_ =	swait.ge [sflag:s16], $0x1900  }
0x13: {  	[sflag:s16] =	ssyncset.done $0x0  }
0x14: {  	[sflag:s16] =	ssyncadd.s32 $0xFFFFE700  }
0x15: {  	[tilespmem:s14], [sflag:$0x1] =	stream.indirect.gather [hbm4b:s2+s13], $0x80, s4, s13, $0xb8;
	[tilespmem:$0x15900] =	vst v63  }
0x16: {  	_ = 	snop  }
0x17: {  	[tilespmem:s15], [sflag:$0x2] =	stream.indirect.gather [hbm4b:s2+s13], $0x80, s13, s13, $0xb8;
	[tilespmem:$0x15900] =	vst v63  }
0x18: {  	s18 =	simm.s32 $0x100  }
0x19: {  	[tilespmem:s17], [sflag:$0x3] =	stream.indirect.gather [hbm4b:s2+s13], $0x80, s18, s13, $0xb8;
	[tilespmem:$0x15900] =	vst v63  }
0x1a: {  	s26 =	simm.s32 $0x180;
	s0 =	simm.s32 $0x0  }
0x1b: {  	[tilespmem:s19], [sflag:$0x4] =	stream.indirect.gather [hbm4b:s2+s13], $0x80, s26, s13, $0xb8;
	[tilespmem:$0x15900] =	vst v63  }
.LBB2_2:
0x1c: {  	p0 =	seq.s32 s0, $0x0  }
0x1d: {  	s11 =	smul.u32 $0xA00, s0;
	s6 =	simm.s32 @!p0 $0xA  }
0x1e: {  	_ =	swait.ge @!p0 [sflag:s6], $0x4000  }
0x1f: {  	s11 =	sshra.s32 s11, $0x2;
	[sflag:s6] =	ssyncset.done @!p0 $0x0  }
0x20: {  	s26 =	sadd.s32 $0x200, s11;
	[sflag:s6] =	ssyncadd.s32 @!p0 $0xFFFFC000  }
0x21: {  	[tilespmem:s20], [sflag:$0x5] =	stream.indirect.gather [hbm4b:s2+s13], $0x80, s26, s13, $0xb8;
	[tilespmem:$0x15900] =	vst v63  }
0x22: {  	_ =	swait.ge [sflag:s21], $0x4000  }
0x23: {  	[sflag:s21] =	ssyncset.done $0x0  }
0x24: {  	s6 =	simm.s32 $0x1980;
	[sflag:s21] =	ssyncadd.s32 $0xFFFFC000  }
0x25: {  	v0 =	vld [tilespmem:s6+$0xFFFFFF80]  }
0x26: {  	v1 =	vld [tilespmem:s6+$0xFFFFFF90]  }
0x27: {  	v2 =	vld [tilespmem:s6+$0xFFFFFFA0]  }
0x28: {  	v3 =	vld [tilespmem:s6+$0xFFFFFFB0]  }
0x29: {  	v4 =	vld [tilespmem:s6+$0xFFFFFFC0]  }
0x2a: {  	v5 =	vld [tilespmem:s6+$0xFFFFFFD0];
	v0 =	vmul.f32 $1.131370830e+01, v0  }
0x2b: {  	v6 =	vld [tilespmem:s6+$0xFFFFFFE0];
	v1 =	vmul.f32 $1.131370830e+01, v1  }
0x2c: {  	[tilespmem:s6+$0xFFFFFF80] =	vst v0;
	v0 =	vmul.f32 $1.131370830e+01, v2;
	v2 =	vld [tilespmem:s6+$0x0]  }
0x2d: {  	[tilespmem:s6+$0xFFFFFF90] =	vst v1;
	v1 =	vmul.f32 $1.131370830e+01, v3;
	v3 =	vld [tilespmem:s6+$0x10]  }
0x2e: {  	[tilespmem:s6+$0xFFFFFFA0] =	vst v0;
	v0 =	vmul.f32 $1.131370830e+01, v4;
	v4 =	vld [tilespmem:s6+$0x20]  }
0x2f: {  	v7 =	vld [tilespmem:s6+$0x30];
	[tilespmem:s6+$0xFFFFFFB0] =	vst v1;
	v1 =	vmul.f32 $1.131370830e+01, v5  }
0x30: {  	v5 =	vmul.f32 $1.131370830e+01, v6;
	[tilespmem:s6+$0xFFFFFFC0] =	vst v0;
	v0 =	vld [tilespmem:s6+$0x40]  }
0x31: {  	[tilespmem:s6+$0xFFFFFFD0] =	vst v1;
	v1 =	vmul.f32 $1.131370830e+01, v2;
	v2 =	vld [tilespmem:s6+$0x50]  }
0x32: {  	[tilespmem:s6+$0xFFFFFFE0] =	vst v5;
	v6 =	vmul.f32 $1.131370830e+01, v3;
	v3 =	vld [tilespmem:s6+$0x60]  }
0x33: {  	[tilespmem:s6+$0x0] =	vst v1;
	v5 =	vmul.f32 $1.131370830e+01, v4;
	v4 =	vld [tilespmem:s6+$0x70]  }
0x34: {  	s12 =	simm.s32 $0x1A80;
	s11 =	simm.s32 $0x0;
	v1 =	vld [tilespmem:s6+$0xFFFFFFF0];
	[tilespmem:s6+$0x10] =	vst v6;
	v6 =	vmul.f32 $1.131370830e+01, v7  }
.LBB2_3:
0x35: {  	v7 =	vld [tilespmem:s12+$0xFFFFFF80];
	[tilespmem:s6+$0x20] =	vst v5;
	v0 =	vmul.f32 $1.131370830e+01, v0  }
0x36: {  	v5 =	vld [tilespmem:s12+$0xFFFFFF90];
	[tilespmem:s6+$0x30] =	vst v6;
	v2 =	vmul.f32 $1.131370830e+01, v2  }
0x37: {  	v6 =	vld [tilespmem:s12+$0xFFFFFFA0];
	[tilespmem:s6+$0x40] =	vst v0;
	v0 =	vmul.f32 $1.131370830e+01, v3  }
0x38: {  	v3 =	vld [tilespmem:s12+$0xFFFFFFB0];
	[tilespmem:s6+$0x50] =	vst v2;
	v2 =	vmul.f32 $1.131370830e+01, v4  }
0x39: {  	v4 =	vld [tilespmem:s12+$0xFFFFFFC0];
	v1 =	vmul.f32 $1.131370830e+01, v1;
	[tilespmem:s6+$0x60] =	vst v0  }
0x3a: {  	v0 =	vmul.f32 $1.131370830e+01, v7;
	v7 =	vld [tilespmem:s12+$0xFFFFFFD0];
	[tilespmem:s6+$0x70] =	vst v2  }
0x3b: {  	v2 =	vmul.f32 $1.131370830e+01, v5;
	v5 =	vld [tilespmem:s12+$0xFFFFFFE0];
	[tilespmem:s6+$0xFFFFFFF0] =	vst v1;
	s6 =	smov.u32 s12  }
0x3c: {  	[tilespmem:s12+$0xFFFFFF80] =	vst v0;
	v0 =	vmul.f32 $1.131370830e+01, v6;
	v1 =	vld [tilespmem:s12+$0x0]  }
0x3d: {  	[tilespmem:s12+$0xFFFFFF90] =	vst v2;
	v2 =	vmul.f32 $1.131370830e+01, v3;
	v3 =	vld [tilespmem:s12+$0x10]  }
0x3e: {  	s11 =	sadd.s32 $0x2, s11;
	[tilespmem:s12+$0xFFFFFFA0] =	vst v0;
	v0 =	vmul.f32 $1.131370830e+01, v4;
	v4 =	vld [tilespmem:s12+$0x20]  }
0x3f: {  	p0 =	slt.u32 s11, $0x7E;
	[tilespmem:s12+$0xFFFFFFB0] =	vst v2;
	v2 =	vmul.f32 $1.131370830e+01, v7;
	v6 =	vld [tilespmem:s12+$0x30]  }
.Ltmp0:
0x40: {  	[tilespmem:s12+$0xFFFFFFC0] =	vst v0;
	v5 =	vmul.f32 $1.131370830e+01, v5;
	v0 =	vld [tilespmem:s12+$0x40];
	(pc) =	sbr.rel @p0 .LBB2_3-.Ltmp0, $4  }
0x41: {  	[tilespmem:s12+$0xFFFFFFD0] =	vst v2;
	v1 =	vmul.f32 $1.131370830e+01, v1;
	v2 =	vld [tilespmem:s12+$0x50]  }
0x42: {  	[tilespmem:s12+$0xFFFFFFE0] =	vst v5;
	v7 =	vmul.f32 $1.131370830e+01, v3;
	v3 =	vld [tilespmem:s12+$0x60]  }
0x43: {  	[tilespmem:s12+$0x0] =	vst v1;
	v5 =	vmul.f32 $1.131370830e+01, v4;
	v4 =	vld [tilespmem:s12+$0x70]  }
0x44: {  	s12 =	sadd.s32 $0x100, s12;
	v1 =	vld [tilespmem:s6+$0xFFFFFFF0];
	[tilespmem:s6+$0x10] =	vst v7;
	v6 =	vmul.f32 $1.131370830e+01, v6  }
0x45: {  	[tilespmem:s6+$0x20] =	vst v5;
	v0 =	vmul.f32 $1.131370830e+01, v0  }
0x46: {  	[tilespmem:s6+$0x30] =	vst v6;
	v2 =	vmul.f32 $1.131370830e+01, v2  }
0x47: {  	s18 =	smul.u32 $0x280, s0;
	[tilespmem:s6+$0x40] =	vst v0;
	v0 =	vmul.f32 $1.131370830e+01, v3  }
0x48: {  	[tilespmem:s6+$0x50] =	vst v2;
	v2 =	vmul.f32 $1.131370830e+01, v4  }
0x49: {  	s11 =	sadd.s32 s5, s18;
	v1 =	vmul.f32 $1.131370830e+01, v1;
	[tilespmem:s6+$0x60] =	vst v0  }
0x4a: {  	p0 =	seq.s32 s0, $0x9;
	s11 =	sshll.u32 s11, $0x4;
	[tilespmem:s6+$0x70] =	vst v2  }
0x4b: {  	s16 =	sadd.s32 $0x1, s0;
	s26 =	sadd.s32 s3, s11;
	[tilespmem:s6+$0xFFFFFFF0] =	vst v1;
	s6 =	simm.s32 @!p0 $0x6  }
0x4c: {  	[hbm4b:s26+s4] =	stream.linear.scatter [tilespmem:s14], [sflag:$0x6], $0x4000, $0x38;
	[tilespmem:$0x15900] =	vst v63  }
0x4d: {  	s11 =	smul.u32 @!p0 $0xA00, s16;
	_ =	swait.ge @!p0 [sflag:s6], $0x4000  }
0x4e: {  	s12 =	simm.s32 @!p0 $0x1900;
	[sflag:s6] =	ssyncset.done @!p0 $0x0  }
0x4f: {  	[sflag:s6] =	ssyncadd.s32 @!p0 $0xFFFFC000;
	s6 =	sshra.s32 @!p0 s11, $0x2;
	s11 =	simm.s32 @!p0 $0x80  }
0x50: {  	[tilespmem:s12], [sflag:$0x1] =	stream.indirect.gather @!p0 [hbm4b:s2+s11], $0x80, s6, s11, $0xb8;
	[tilespmem:$0x15900] =	vst v63  }
0x51: {  	_ =	swait.ge [sflag:s22], $0x4000  }
0x52: {  	[sflag:s22] =	ssyncset.done $0x0  }
0x53: {  	s11 =	simm.s32 $0x5980;
	[sflag:s22] =	ssyncadd.s32 $0xFFFFC000  }
0x54: {  	v0 =	vld [tilespmem:s11+$0xFFFFFF80]  }
0x55: {  	v1 =	vld [tilespmem:s11+$0xFFFFFF90]  }
0x56: {  	v2 =	vld [tilespmem:s11+$0xFFFFFFA0]  }
0x57: {  	v3 =	vld [tilespmem:s11+$0xFFFFFFB0]  }
0x58: {  	v4 =	vld [tilespmem:s11+$0xFFFFFFC0]  }
0x59: {  	v5 =	vld [tilespmem:s11+$0xFFFFFFD0];
	v0 =	vmul.f32 $1.131370830e+01, v0  }
0x5a: {  	v6 =	vld [tilespmem:s11+$0xFFFFFFE0];
	v1 =	vmul.f32 $1.131370830e+01, v1  }
0x5b: {  	[tilespmem:s11+$0xFFFFFF80] =	vst v0;
	v0 =	vmul.f32 $1.131370830e+01, v2;
	v2 =	vld [tilespmem:s11+$0x0]  }
0x5c: {  	[tilespmem:s11+$0xFFFFFF90] =	vst v1;
	v1 =	vmul.f32 $1.131370830e+01, v3;
	v3 =	vld [tilespmem:s11+$0x10]  }
0x5d: {  	[tilespmem:s11+$0xFFFFFFA0] =	vst v0;
	v0 =	vmul.f32 $1.131370830e+01, v4;
	v4 =	vld [tilespmem:s11+$0x20]  }
0x5e: {  	v7 =	vld [tilespmem:s11+$0x30];
	[tilespmem:s11+$0xFFFFFFB0] =	vst v1;
	v1 =	vmul.f32 $1.131370830e+01, v5  }
0x5f: {  	v5 =	vmul.f32 $1.131370830e+01, v6;
	[tilespmem:s11+$0xFFFFFFC0] =	vst v0;
	v0 =	vld [tilespmem:s11+$0x40]  }
0x60: {  	[tilespmem:s11+$0xFFFFFFD0] =	vst v1;
	v1 =	vld [tilespmem:s11+$0x50];
	v2 =	vmul.f32 $1.131370830e+01, v2  }
0x61: {  	[tilespmem:s11+$0xFFFFFFE0] =	vst v5;
	v6 =	vmul.f32 $1.131370830e+01, v3;
	v3 =	vld [tilespmem:s11+$0x60]  }
0x62: {  	[tilespmem:s11+$0x0] =	vst v2;
	v5 =	vmul.f32 $1.131370830e+01, v4;
	v4 =	vld [tilespmem:s11+$0x70]  }
0x63: {  	s26 =	simm.s32 $0x5A80;
	s12 =	simm.s32 $0x0;
	v2 =	vld [tilespmem:s11+$0xFFFFFFF0];
	[tilespmem:s11+$0x10] =	vst v6;
	v6 =	vmul.f32 $1.131370830e+01, v7  }
.LBB2_5:
0x64: {  	v7 =	vld [tilespmem:s26+$0xFFFFFF80];
	[tilespmem:s11+$0x20] =	vst v5;
	v0 =	vmul.f32 $1.131370830e+01, v0  }
0x65: {  	v5 =	vld [tilespmem:s26+$0xFFFFFF90];
	[tilespmem:s11+$0x30] =	vst v6;
	v1 =	vmul.f32 $1.131370830e+01, v1  }
0x66: {  	v6 =	vld [tilespmem:s26+$0xFFFFFFA0];
	[tilespmem:s11+$0x40] =	vst v0;
	v0 =	vmul.f32 $1.131370830e+01, v3  }
0x67: {  	v3 =	vld [tilespmem:s26+$0xFFFFFFB0];
	[tilespmem:s11+$0x50] =	vst v1;
	v1 =	vmul.f32 $1.131370830e+01, v4  }
0x68: {  	v4 =	vld [tilespmem:s26+$0xFFFFFFC0];
	v2 =	vmul.f32 $1.131370830e+01, v2;
	[tilespmem:s11+$0x60] =	vst v0  }
0x69: {  	v0 =	vmul.f32 $1.131370830e+01, v7;
	v7 =	vld [tilespmem:s26+$0xFFFFFFD0];
	[tilespmem:s11+$0x70] =	vst v1  }
0x6a: {  	v1 =	vmul.f32 $1.131370830e+01, v5;
	v5 =	vld [tilespmem:s26+$0xFFFFFFE0];
	[tilespmem:s11+$0xFFFFFFF0] =	vst v2;
	s11 =	smov.u32 s26  }
0x6b: {  	[tilespmem:s26+$0xFFFFFF80] =	vst v0;
	v0 =	vmul.f32 $1.131370830e+01, v6;
	v2 =	vld [tilespmem:s26+$0x0]  }
0x6c: {  	[tilespmem:s26+$0xFFFFFF90] =	vst v1;
	v1 =	vmul.f32 $1.131370830e+01, v3;
	v3 =	vld [tilespmem:s26+$0x10]  }
0x6d: {  	s12 =	sadd.s32 $0x2, s12;
	[tilespmem:s26+$0xFFFFFFA0] =	vst v0;
	v0 =	vmul.f32 $1.131370830e+01, v4;
	v4 =	vld [tilespmem:s26+$0x20]  }
0x6e: {  	p1 =	slt.u32 s12, $0x7E;
	[tilespmem:s26+$0xFFFFFFB0] =	vst v1;
	v1 =	vmul.f32 $1.131370830e+01, v7;
	v6 =	vld [tilespmem:s26+$0x30]  }
.Ltmp1:
0x6f: {  	[tilespmem:s26+$0xFFFFFFC0] =	vst v0;
	v5 =	vmul.f32 $1.131370830e+01, v5;
	v0 =	vld [tilespmem:s26+$0x40];
	(pc) =	sbr.rel @p1 .LBB2_5-.Ltmp1, $4  }
0x70: {  	[tilespmem:s26+$0xFFFFFFD0] =	vst v1;
	v2 =	vmul.f32 $1.131370830e+01, v2;
	v1 =	vld [tilespmem:s26+$0x50]  }
0x71: {  	[tilespmem:s26+$0xFFFFFFE0] =	vst v5;
	v7 =	vmul.f32 $1.131370830e+01, v3;
	v3 =	vld [tilespmem:s26+$0x60]  }
0x72: {  	[tilespmem:s26+$0x0] =	vst v2;
	v5 =	vmul.f32 $1.131370830e+01, v4;
	v4 =	vld [tilespmem:s26+$0x70]  }
0x73: {  	s26 =	sadd.s32 $0x100, s26;
	v2 =	vld [tilespmem:s11+$0xFFFFFFF0];
	[tilespmem:s11+$0x10] =	vst v7;
	v6 =	vmul.f32 $1.131370830e+01, v6  }
0x74: {  	[tilespmem:s11+$0x20] =	vst v5;
	v0 =	vmul.f32 $1.131370830e+01, v0  }
0x75: {  	[tilespmem:s11+$0x30] =	vst v6;
	v1 =	vmul.f32 $1.131370830e+01, v1  }
0x76: {  	[tilespmem:s11+$0x40] =	vst v0;
	v0 =	vmul.f32 $1.131370830e+01, v3  }
0x77: {  	[tilespmem:s11+$0x50] =	vst v1;
	v1 =	vmul.f32 $1.131370830e+01, v4  }
0x78: {  	s12 =	sadd.s32 s18, s7;
	v2 =	vmul.f32 $1.131370830e+01, v2;
	[tilespmem:s11+$0x60] =	vst v0  }
0x79: {  	s12 =	sshll.u32 s12, $0x4;
	[tilespmem:s11+$0x70] =	vst v1  }
0x7a: {  	s26 =	sadd.s32 s3, s12;
	[tilespmem:s11+$0xFFFFFFF0] =	vst v2;
	s11 =	simm.s32 @!p0 $0x7  }
0x7b: {  	[hbm4b:s26+s4] =	stream.linear.scatter [tilespmem:s15], [sflag:$0x7], $0x4000, $0x38;
	[tilespmem:$0x15900] =	vst v63  }
0x7c: {  	_ =	swait.ge @!p0 [sflag:s11], $0x4000  }
0x7d: {  	s12 =	simm.s32 @!p0 $0x80;
	[sflag:s11] =	ssyncset.done @!p0 $0x0  }
0x7e: {  	s26 =	simm.s32 @!p0 $0x5900;
	[sflag:s11] =	ssyncadd.s32 @!p0 $0xFFFFC000;
	s11 =	sadd.s32 @!p0 $0x80, s6  }
0x7f: {  	[tilespmem:s26], [sflag:$0x2] =	stream.indirect.gather @!p0 [hbm4b:s2+s12], $0x80, s11, s12, $0xb8;
	[tilespmem:$0x15900] =	vst v63  }
0x80: {  	_ =	swait.ge [sflag:s23], $0x4000  }
0x81: {  	[sflag:s23] =	ssyncset.done $0x0  }
0x82: {  	s11 =	simm.s32 $0x9980;
	[sflag:s23] =	ssyncadd.s32 $0xFFFFC000  }
0x83: {  	v0 =	vld [tilespmem:s11+$0xFFFFFF80]  }
0x84: {  	v1 =	vld [tilespmem:s11+$0xFFFFFF90]  }
0x85: {  	v2 =	vld [tilespmem:s11+$0xFFFFFFA0]  }
0x86: {  	v3 =	vld [tilespmem:s11+$0xFFFFFFB0]  }
0x87: {  	v4 =	vld [tilespmem:s11+$0xFFFFFFC0]  }
0x88: {  	v5 =	vld [tilespmem:s11+$0xFFFFFFD0];
	v0 =	vmul.f32 $1.131370830e+01, v0  }
0x89: {  	v6 =	vld [tilespmem:s11+$0xFFFFFFE0];
	v1 =	vmul.f32 $1.131370830e+01, v1  }
0x8a: {  	[tilespmem:s11+$0xFFFFFF80] =	vst v0;
	v0 =	vmul.f32 $1.131370830e+01, v2;
	v2 =	vld [tilespmem:s11+$0x0]  }
0x8b: {  	[tilespmem:s11+$0xFFFFFF90] =	vst v1;
	v1 =	vmul.f32 $1.131370830e+01, v3;
	v3 =	vld [tilespmem:s11+$0x10]  }
0x8c: {  	[tilespmem:s11+$0xFFFFFFA0] =	vst v0;
	v0 =	vmul.f32 $1.131370830e+01, v4;
	v4 =	vld [tilespmem:s11+$0x20]  }
0x8d: {  	v7 =	vld [tilespmem:s11+$0x30];
	[tilespmem:s11+$0xFFFFFFB0] =	vst v1;
	v1 =	vmul.f32 $1.131370830e+01, v5  }
0x8e: {  	v5 =	vmul.f32 $1.131370830e+01, v6;
	[tilespmem:s11+$0xFFFFFFC0] =	vst v0;
	v0 =	vld [tilespmem:s11+$0x40]  }
0x8f: {  	[tilespmem:s11+$0xFFFFFFD0] =	vst v1;
	v1 =	vld [tilespmem:s11+$0x50];
	v2 =	vmul.f32 $1.131370830e+01, v2  }
0x90: {  	[tilespmem:s11+$0xFFFFFFE0] =	vst v5;
	v6 =	vmul.f32 $1.131370830e+01, v3;
	v3 =	vld [tilespmem:s11+$0x60]  }
0x91: {  	[tilespmem:s11+$0x0] =	vst v2;
	v5 =	vmul.f32 $1.131370830e+01, v4;
	v4 =	vld [tilespmem:s11+$0x70]  }
0x92: {  	s12 =	simm.s32 $0x0;
	s26 =	simm.s32 $0x9A80;
	v2 =	vld [tilespmem:s11+$0xFFFFFFF0];
	[tilespmem:s11+$0x10] =	vst v6;
	v6 =	vmul.f32 $1.131370830e+01, v7  }
.LBB2_7:
0x93: {  	v7 =	vld [tilespmem:s26+$0xFFFFFF80];
	[tilespmem:s11+$0x20] =	vst v5;
	v0 =	vmul.f32 $1.131370830e+01, v0  }
0x94: {  	v5 =	vld [tilespmem:s26+$0xFFFFFF90];
	[tilespmem:s11+$0x30] =	vst v6;
	v1 =	vmul.f32 $1.131370830e+01, v1  }
0x95: {  	v6 =	vld [tilespmem:s26+$0xFFFFFFA0];
	[tilespmem:s11+$0x40] =	vst v0;
	v0 =	vmul.f32 $1.131370830e+01, v3  }
0x96: {  	v3 =	vld [tilespmem:s26+$0xFFFFFFB0];
	[tilespmem:s11+$0x50] =	vst v1;
	v1 =	vmul.f32 $1.131370830e+01, v4  }
0x97: {  	v4 =	vld [tilespmem:s26+$0xFFFFFFC0];
	v2 =	vmul.f32 $1.131370830e+01, v2;
	[tilespmem:s11+$0x60] =	vst v0  }
0x98: {  	v0 =	vmul.f32 $1.131370830e+01, v7;
	v7 =	vld [tilespmem:s26+$0xFFFFFFD0];
	[tilespmem:s11+$0x70] =	vst v1  }
0x99: {  	v1 =	vmul.f32 $1.131370830e+01, v5;
	v5 =	vld [tilespmem:s26+$0xFFFFFFE0];
	[tilespmem:s11+$0xFFFFFFF0] =	vst v2;
	s11 =	smov.u32 s26  }
0x9a: {  	[tilespmem:s26+$0xFFFFFF80] =	vst v0;
	v0 =	vmul.f32 $1.131370830e+01, v6;
	v2 =	vld [tilespmem:s26+$0x0]  }
0x9b: {  	[tilespmem:s26+$0xFFFFFF90] =	vst v1;
	v1 =	vmul.f32 $1.131370830e+01, v3;
	v3 =	vld [tilespmem:s26+$0x10]  }
0x9c: {  	s12 =	sadd.s32 $0x2, s12;
	[tilespmem:s26+$0xFFFFFFA0] =	vst v0;
	v0 =	vmul.f32 $1.131370830e+01, v4;
	v4 =	vld [tilespmem:s26+$0x20]  }
0x9d: {  	p1 =	slt.u32 s12, $0x7E;
	[tilespmem:s26+$0xFFFFFFB0] =	vst v1;
	v1 =	vmul.f32 $1.131370830e+01, v7;
	v6 =	vld [tilespmem:s26+$0x30]  }
.Ltmp2:
0x9e: {  	[tilespmem:s26+$0xFFFFFFC0] =	vst v0;
	v5 =	vmul.f32 $1.131370830e+01, v5;
	v0 =	vld [tilespmem:s26+$0x40];
	(pc) =	sbr.rel @p1 .LBB2_7-.Ltmp2, $4  }
0x9f: {  	[tilespmem:s26+$0xFFFFFFD0] =	vst v1;
	v2 =	vmul.f32 $1.131370830e+01, v2;
	v1 =	vld [tilespmem:s26+$0x50]  }
0xa0: {  	[tilespmem:s26+$0xFFFFFFE0] =	vst v5;
	v7 =	vmul.f32 $1.131370830e+01, v3;
	v3 =	vld [tilespmem:s26+$0x60]  }
0xa1: {  	[tilespmem:s26+$0x0] =	vst v2;
	v5 =	vmul.f32 $1.131370830e+01, v4;
	v4 =	vld [tilespmem:s26+$0x70]  }
0xa2: {  	s26 =	sadd.s32 $0x100, s26;
	v2 =	vld [tilespmem:s11+$0xFFFFFFF0];
	[tilespmem:s11+$0x10] =	vst v7;
	v6 =	vmul.f32 $1.131370830e+01, v6  }
0xa3: {  	[tilespmem:s11+$0x20] =	vst v5;
	v0 =	vmul.f32 $1.131370830e+01, v0  }
0xa4: {  	[tilespmem:s11+$0x30] =	vst v6;
	v1 =	vmul.f32 $1.131370830e+01, v1  }
0xa5: {  	[tilespmem:s11+$0x40] =	vst v0;
	v0 =	vmul.f32 $1.131370830e+01, v3  }
0xa6: {  	[tilespmem:s11+$0x50] =	vst v1;
	v1 =	vmul.f32 $1.131370830e+01, v4  }
0xa7: {  	s12 =	sadd.s32 s18, s8;
	v2 =	vmul.f32 $1.131370830e+01, v2;
	[tilespmem:s11+$0x60] =	vst v0  }
0xa8: {  	s12 =	sshll.u32 s12, $0x4;
	[tilespmem:s11+$0x70] =	vst v1  }
0xa9: {  	s26 =	sadd.s32 s3, s12;
	[tilespmem:s11+$0xFFFFFFF0] =	vst v2;
	s11 =	simm.s32 @!p0 $0x8  }
0xaa: {  	[hbm4b:s26+s4] =	stream.linear.scatter [tilespmem:s17], [sflag:$0x8], $0x4000, $0x38;
	[tilespmem:$0x15900] =	vst v63  }
0xab: {  	_ =	swait.ge @!p0 [sflag:s11], $0x4000  }
0xac: {  	s12 =	simm.s32 @!p0 $0x80;
	[sflag:s11] =	ssyncset.done @!p0 $0x0  }
0xad: {  	s26 =	simm.s32 @!p0 $0x9900;
	[sflag:s11] =	ssyncadd.s32 @!p0 $0xFFFFC000;
	s11 =	sadd.s32 @!p0 $0x100, s6  }
0xae: {  	[tilespmem:s26], [sflag:$0x3] =	stream.indirect.gather @!p0 [hbm4b:s2+s12], $0x80, s11, s12, $0xb8;
	[tilespmem:$0x15900] =	vst v63  }
0xaf: {  	_ =	swait.ge [sflag:s24], $0x4000  }
0xb0: {  	[sflag:s24] =	ssyncset.done $0x0  }
0xb1: {  	s11 =	simm.s32 $0xD980;
	[sflag:s24] =	ssyncadd.s32 $0xFFFFC000  }
0xb2: {  	v0 =	vld [tilespmem:s11+$0xFFFFFF80]  }
0xb3: {  	v1 =	vld [tilespmem:s11+$0xFFFFFF90]  }
0xb4: {  	v2 =	vld [tilespmem:s11+$0xFFFFFFA0]  }
0xb5: {  	v3 =	vld [tilespmem:s11+$0xFFFFFFB0]  }
0xb6: {  	v4 =	vld [tilespmem:s11+$0xFFFFFFC0]  }
0xb7: {  	v5 =	vld [tilespmem:s11+$0xFFFFFFD0];
	v0 =	vmul.f32 $1.131370830e+01, v0  }
0xb8: {  	v6 =	vld [tilespmem:s11+$0xFFFFFFE0];
	v1 =	vmul.f32 $1.131370830e+01, v1  }
0xb9: {  	[tilespmem:s11+$0xFFFFFF80] =	vst v0;
	v0 =	vmul.f32 $1.131370830e+01, v2;
	v2 =	vld [tilespmem:s11+$0x0]  }
0xba: {  	[tilespmem:s11+$0xFFFFFF90] =	vst v1;
	v1 =	vmul.f32 $1.131370830e+01, v3;
	v3 =	vld [tilespmem:s11+$0x10]  }
0xbb: {  	[tilespmem:s11+$0xFFFFFFA0] =	vst v0;
	v0 =	vmul.f32 $1.131370830e+01, v4;
	v4 =	vld [tilespmem:s11+$0x20]  }
0xbc: {  	v7 =	vld [tilespmem:s11+$0x30];
	[tilespmem:s11+$0xFFFFFFB0] =	vst v1;
	v1 =	vmul.f32 $1.131370830e+01, v5  }
0xbd: {  	v5 =	vmul.f32 $1.131370830e+01, v6;
	[tilespmem:s11+$0xFFFFFFC0] =	vst v0;
	v0 =	vld [tilespmem:s11+$0x40]  }
0xbe: {  	[tilespmem:s11+$0xFFFFFFD0] =	vst v1;
	v1 =	vld [tilespmem:s11+$0x50];
	v2 =	vmul.f32 $1.131370830e+01, v2  }
0xbf: {  	[tilespmem:s11+$0xFFFFFFE0] =	vst v5;
	v6 =	vmul.f32 $1.131370830e+01, v3;
	v3 =	vld [tilespmem:s11+$0x60]  }
0xc0: {  	[tilespmem:s11+$0x0] =	vst v2;
	v5 =	vmul.f32 $1.131370830e+01, v4;
	v4 =	vld [tilespmem:s11+$0x70]  }
0xc1: {  	s12 =	simm.s32 $0x0;
	s26 =	simm.s32 $0xDA80;
	v2 =	vld [tilespmem:s11+$0xFFFFFFF0];
	[tilespmem:s11+$0x10] =	vst v6;
	v6 =	vmul.f32 $1.131370830e+01, v7  }
.LBB2_9:
0xc2: {  	v7 =	vld [tilespmem:s26+$0xFFFFFF80];
	[tilespmem:s11+$0x20] =	vst v5;
	v0 =	vmul.f32 $1.131370830e+01, v0  }
0xc3: {  	v5 =	vld [tilespmem:s26+$0xFFFFFF90];
	[tilespmem:s11+$0x30] =	vst v6;
	v1 =	vmul.f32 $1.131370830e+01, v1  }
0xc4: {  	v6 =	vld [tilespmem:s26+$0xFFFFFFA0];
	[tilespmem:s11+$0x40] =	vst v0;
	v0 =	vmul.f32 $1.131370830e+01, v3  }
0xc5: {  	v3 =	vld [tilespmem:s26+$0xFFFFFFB0];
	[tilespmem:s11+$0x50] =	vst v1;
	v1 =	vmul.f32 $1.131370830e+01, v4  }
0xc6: {  	v4 =	vld [tilespmem:s26+$0xFFFFFFC0];
	v2 =	vmul.f32 $1.131370830e+01, v2;
	[tilespmem:s11+$0x60] =	vst v0  }
0xc7: {  	v0 =	vmul.f32 $1.131370830e+01, v7;
	v7 =	vld [tilespmem:s26+$0xFFFFFFD0];
	[tilespmem:s11+$0x70] =	vst v1  }
0xc8: {  	v1 =	vmul.f32 $1.131370830e+01, v5;
	v5 =	vld [tilespmem:s26+$0xFFFFFFE0];
	[tilespmem:s11+$0xFFFFFFF0] =	vst v2;
	s11 =	smov.u32 s26  }
0xc9: {  	[tilespmem:s26+$0xFFFFFF80] =	vst v0;
	v0 =	vmul.f32 $1.131370830e+01, v6;
	v2 =	vld [tilespmem:s26+$0x0]  }
0xca: {  	[tilespmem:s26+$0xFFFFFF90] =	vst v1;
	v1 =	vmul.f32 $1.131370830e+01, v3;
	v3 =	vld [tilespmem:s26+$0x10]  }
0xcb: {  	s12 =	sadd.s32 $0x2, s12;
	[tilespmem:s26+$0xFFFFFFA0] =	vst v0;
	v0 =	vmul.f32 $1.131370830e+01, v4;
	v4 =	vld [tilespmem:s26+$0x20]  }
0xcc: {  	p1 =	slt.u32 s12, $0x7E;
	[tilespmem:s26+$0xFFFFFFB0] =	vst v1;
	v1 =	vmul.f32 $1.131370830e+01, v7;
	v6 =	vld [tilespmem:s26+$0x30]  }
.Ltmp3:
0xcd: {  	[tilespmem:s26+$0xFFFFFFC0] =	vst v0;
	v5 =	vmul.f32 $1.131370830e+01, v5;
	v0 =	vld [tilespmem:s26+$0x40];
	(pc) =	sbr.rel @p1 .LBB2_9-.Ltmp3, $4  }
0xce: {  	[tilespmem:s26+$0xFFFFFFD0] =	vst v1;
	v2 =	vmul.f32 $1.131370830e+01, v2;
	v1 =	vld [tilespmem:s26+$0x50]  }
0xcf: {  	[tilespmem:s26+$0xFFFFFFE0] =	vst v5;
	v7 =	vmul.f32 $1.131370830e+01, v3;
	v3 =	vld [tilespmem:s26+$0x60]  }
0xd0: {  	[tilespmem:s26+$0x0] =	vst v2;
	v5 =	vmul.f32 $1.131370830e+01, v4;
	v4 =	vld [tilespmem:s26+$0x70]  }
0xd1: {  	s26 =	sadd.s32 $0x100, s26;
	v2 =	vld [tilespmem:s11+$0xFFFFFFF0];
	[tilespmem:s11+$0x10] =	vst v7;
	v6 =	vmul.f32 $1.131370830e+01, v6  }
0xd2: {  	[tilespmem:s11+$0x20] =	vst v5;
	v0 =	vmul.f32 $1.131370830e+01, v0  }
0xd3: {  	[tilespmem:s11+$0x30] =	vst v6;
	v1 =	vmul.f32 $1.131370830e+01, v1  }
0xd4: {  	[tilespmem:s11+$0x40] =	vst v0;
	v0 =	vmul.f32 $1.131370830e+01, v3  }
0xd5: {  	[tilespmem:s11+$0x50] =	vst v1;
	v1 =	vmul.f32 $1.131370830e+01, v4  }
0xd6: {  	s12 =	sadd.s32 s18, s9;
	v2 =	vmul.f32 $1.131370830e+01, v2;
	[tilespmem:s11+$0x60] =	vst v0  }
0xd7: {  	s12 =	sshll.u32 s12, $0x4;
	[tilespmem:s11+$0x70] =	vst v1  }
0xd8: {  	s26 =	sadd.s32 s3, s12;
	[tilespmem:s11+$0xFFFFFFF0] =	vst v2;
	s11 =	simm.s32 @!p0 $0x9  }
0xd9: {  	[hbm4b:s26+s4] =	stream.linear.scatter [tilespmem:s19], [sflag:$0x9], $0x4000, $0x38;
	[tilespmem:$0x15900] =	vst v63  }
0xda: {  	_ =	swait.ge @!p0 [sflag:s11], $0x4000  }
0xdb: {  	s6 =	sadd.s32 @!p0 $0x180, s6;
	[sflag:s11] =	ssyncset.done @!p0 $0x0  }
0xdc: {  	s12 =	simm.s32 @!p0 $0xD900;
	[sflag:s11] =	ssyncadd.s32 @!p0 $0xFFFFC000;
	s11 =	simm.s32 @!p0 $0x80  }
0xdd: {  	[tilespmem:s12], [sflag:$0x4] =	stream.indirect.gather @!p0 [hbm4b:s2+s11], $0x80, s6, s11, $0xb8;
	[tilespmem:$0x15900] =	vst v63  }
0xde: {  	_ =	swait.ge [sflag:s25], $0x4000  }
0xdf: {  	[sflag:s25] =	ssyncset.done $0x0  }
0xe0: {  	s6 =	simm.s32 $0x11980;
	[sflag:s25] =	ssyncadd.s32 $0xFFFFC000  }
0xe1: {  	v0 =	vld [tilespmem:s6+$0xFFFFFF80]  }
0xe2: {  	v1 =	vld [tilespmem:s6+$0xFFFFFF90]  }
0xe3: {  	v2 =	vld [tilespmem:s6+$0xFFFFFFA0]  }
0xe4: {  	v3 =	vld [tilespmem:s6+$0xFFFFFFB0]  }
0xe5: {  	v4 =	vld [tilespmem:s6+$0xFFFFFFC0]  }
0xe6: {  	v5 =	vld [tilespmem:s6+$0xFFFFFFD0];
	v0 =	vmul.f32 $1.131370830e+01, v0  }
0xe7: {  	v6 =	vld [tilespmem:s6+$0xFFFFFFE0];
	v1 =	vmul.f32 $1.131370830e+01, v1  }
0xe8: {  	[tilespmem:s6+$0xFFFFFF80] =	vst v0;
	v0 =	vmul.f32 $1.131370830e+01, v2;
	v2 =	vld [tilespmem:s6+$0x0]  }
0xe9: {  	[tilespmem:s6+$0xFFFFFF90] =	vst v1;
	v1 =	vmul.f32 $1.131370830e+01, v3;
	v3 =	vld [tilespmem:s6+$0x10]  }
0xea: {  	[tilespmem:s6+$0xFFFFFFA0] =	vst v0;
	v0 =	vmul.f32 $1.131370830e+01, v4;
	v4 =	vld [tilespmem:s6+$0x20]  }
0xeb: {  	v7 =	vld [tilespmem:s6+$0x30];
	[tilespmem:s6+$0xFFFFFFB0] =	vst v1;
	v1 =	vmul.f32 $1.131370830e+01, v5  }
0xec: {  	v5 =	vmul.f32 $1.131370830e+01, v6;
	[tilespmem:s6+$0xFFFFFFC0] =	vst v0;
	v0 =	vld [tilespmem:s6+$0x40]  }
0xed: {  	[tilespmem:s6+$0xFFFFFFD0] =	vst v1;
	v1 =	vmul.f32 $1.131370830e+01, v2;
	v2 =	vld [tilespmem:s6+$0x50]  }
0xee: {  	[tilespmem:s6+$0xFFFFFFE0] =	vst v5;
	v6 =	vmul.f32 $1.131370830e+01, v3;
	v3 =	vld [tilespmem:s6+$0x60]  }
0xef: {  	[tilespmem:s6+$0x0] =	vst v1;
	v5 =	vmul.f32 $1.131370830e+01, v4;
	v4 =	vld [tilespmem:s6+$0x70]  }
0xf0: {  	s11 =	simm.s32 $0x0;
	s12 =	simm.s32 $0x11A80;
	v1 =	vld [tilespmem:s6+$0xFFFFFFF0];
	[tilespmem:s6+$0x10] =	vst v6;
	v6 =	vmul.f32 $1.131370830e+01, v7  }
.LBB2_11:
0xf1: {  	v7 =	vld [tilespmem:s12+$0xFFFFFF80];
	[tilespmem:s6+$0x20] =	vst v5;
	v0 =	vmul.f32 $1.131370830e+01, v0  }
0xf2: {  	v5 =	vld [tilespmem:s12+$0xFFFFFF90];
	[tilespmem:s6+$0x30] =	vst v6;
	v2 =	vmul.f32 $1.131370830e+01, v2  }
0xf3: {  	v6 =	vld [tilespmem:s12+$0xFFFFFFA0];
	[tilespmem:s6+$0x40] =	vst v0;
	v0 =	vmul.f32 $1.131370830e+01, v3  }
0xf4: {  	v3 =	vld [tilespmem:s12+$0xFFFFFFB0];
	[tilespmem:s6+$0x50] =	vst v2;
	v2 =	vmul.f32 $1.131370830e+01, v4  }
0xf5: {  	v4 =	vld [tilespmem:s12+$0xFFFFFFC0];
	v1 =	vmul.f32 $1.131370830e+01, v1;
	[tilespmem:s6+$0x60] =	vst v0  }
0xf6: {  	v0 =	vmul.f32 $1.131370830e+01, v7;
	v7 =	vld [tilespmem:s12+$0xFFFFFFD0];
	[tilespmem:s6+$0x70] =	vst v2  }
0xf7: {  	v2 =	vmul.f32 $1.131370830e+01, v5;
	v5 =	vld [tilespmem:s12+$0xFFFFFFE0];
	[tilespmem:s6+$0xFFFFFFF0] =	vst v1;
	s6 =	smov.u32 s12  }
0xf8: {  	[tilespmem:s12+$0xFFFFFF80] =	vst v0;
	v0 =	vmul.f32 $1.131370830e+01, v6;
	v1 =	vld [tilespmem:s12+$0x0]  }
0xf9: {  	[tilespmem:s12+$0xFFFFFF90] =	vst v2;
	v2 =	vmul.f32 $1.131370830e+01, v3;
	v3 =	vld [tilespmem:s12+$0x10]  }
0xfa: {  	s11 =	sadd.s32 $0x2, s11;
	[tilespmem:s12+$0xFFFFFFA0] =	vst v0;
	v0 =	vmul.f32 $1.131370830e+01, v4;
	v4 =	vld [tilespmem:s12+$0x20]  }
0xfb: {  	p0 =	slt.u32 s11, $0x7E;
	[tilespmem:s12+$0xFFFFFFB0] =	vst v2;
	v2 =	vmul.f32 $1.131370830e+01, v7;
	v6 =	vld [tilespmem:s12+$0x30]  }
.Ltmp4:
0xfc: {  	[tilespmem:s12+$0xFFFFFFC0] =	vst v0;
	v5 =	vmul.f32 $1.131370830e+01, v5;
	v0 =	vld [tilespmem:s12+$0x40];
	(pc) =	sbr.rel @p0 .LBB2_11-.Ltmp4, $4  }
0xfd: {  	[tilespmem:s12+$0xFFFFFFD0] =	vst v2;
	v1 =	vmul.f32 $1.131370830e+01, v1;
	v2 =	vld [tilespmem:s12+$0x50]  }
0xfe: {  	[tilespmem:s12+$0xFFFFFFE0] =	vst v5;
	v7 =	vmul.f32 $1.131370830e+01, v3;
	v3 =	vld [tilespmem:s12+$0x60]  }
0xff: {  	[tilespmem:s12+$0x0] =	vst v1;
	v5 =	vmul.f32 $1.131370830e+01, v4;
	v4 =	vld [tilespmem:s12+$0x70]  }
0x100: {  	s12 =	sadd.s32 $0x100, s12;
	v1 =	vld [tilespmem:s6+$0xFFFFFFF0];
	[tilespmem:s6+$0x10] =	vst v7;
	v6 =	vmul.f32 $1.131370830e+01, v6  }
0x101: {  	[tilespmem:s6+$0x20] =	vst v5;
	v0 =	vmul.f32 $1.131370830e+01, v0  }
0x102: {  	[tilespmem:s6+$0x30] =	vst v6;
	v2 =	vmul.f32 $1.131370830e+01, v2  }
0x103: {  	s0 =	smul.u32 $0x14000, s0;
	[tilespmem:s6+$0x40] =	vst v0;
	v62 =	vmul.f32 $1.131370830e+01, v3  }
0x104: {  	p0 =	sne.s32 s16, $0xA;
	[tilespmem:s6+$0x50] =	vst v2;
	v63 =	vmul.f32 $1.131370830e+01, v4  }
.Ltmp5:
0x105: {  	s0 =	sadd.s32 s0, s10;
	v1 =	vmul.f32 $1.131370830e+01, v1;
	[tilespmem:s6+$0x60] =	vst v62;
	(pc) =	sbr.rel @p0 .LBB2_2-.Ltmp5, $4  }
0x106: {  	s0 =	sshrl.u32 s0, $0x3;
	[tilespmem:s6+$0x70] =	vst v63  }
0x107: {  	s0 =	sadd.s32 s3, s0;
	[tilespmem:s6+$0xFFFFFFF0] =	vst v1  }
0x108: {  	[hbm4b:s0+s4] =	stream.linear.scatter [tilespmem:s20], [sflag:$0xA], $0x4000, $0x38;
	[tilespmem:$0x15900] =	vst v63  }
0x109: {  	s0 =	smov.u32 s16  }
0x10a: {  	s0 =	simm.s32 $0x6  }
0x10b: {  	_ =	swait.ge [sflag:s0], $0x4000  }
0x10c: {  	[sflag:s0] =	ssyncset.done $0x0  }
0x10d: {  	[sflag:s0] =	ssyncadd.s32 $0xFFFFC000  }
0x10e: {  	_ =	swait.ge [sflag:s28], $0x4000  }
0x10f: {  	[sflag:s28] =	ssyncset.done $0x0  }
0x110: {  	[sflag:s28] =	ssyncadd.s32 $0xFFFFC000  }
0x111: {  	_ =	swait.ge [sflag:s29], $0x4000  }
0x112: {  	[sflag:s29] =	ssyncset.done $0x0  }
0x113: {  	[sflag:s29] =	ssyncadd.s32 $0xFFFFC000  }
0x114: {  	_ =	swait.ge [sflag:s30], $0x4000  }
0x115: {  	[sflag:s30] =	ssyncset.done $0x0  }
0x116: {  	[sflag:s30] =	ssyncadd.s32 $0xFFFFC000  }
0x117: {  	_ =	swait.ge [sflag:s31], $0x4000  }
0x118: {  	s1 =	sadd.s32 $0x1, s1;
	s26 =	rddreg [dreg:$0x5]  }
0x119: {  	p0 =	sne.s32 s1, s26  }
.Ltmp6:
0x11a: {  	_ = 	snop;
	(pc) =	sbr.rel @p0 .LBB2_1-.Ltmp6, $3  }
0x11b: {  	_ =	sdelay $0x1  }
0x11c: {  	[sflag:s31] =	ssyncset.done $0x0  }
0x11d: {  	[sflag:s31] =	ssyncadd.s32 $0xFFFFC000  }
0x11e: {  	_ =	sfence.sel $0x180000  }
0x11f: {  	[bflag:$0x0] =	sbarrier.arrive $0xFFFF  }
0x120: {  	_ =	strace $0x90000047  }
0x121: {  	s0 =	stileid.u32;
	[bflag:$0x2] =	sbarrier.arrive $0xFFFF  }
0x122: {  	p0 =	sne.s32 s0, $0x0;
	s0 =	rddreg [dreg:$0x3]  }
0x123: {  	s0 =	sadd.s32 @!p0 $0x100000, s0  }
0x124: {  	[sflag:s0] =	ssyncadd.tile.s32 @!p0 $0x1;
	_ =	shalt  }
.Lfunc_end2:
_tile_overlayer_lowered:
.L_overlay_start_2:
0x125: {  	(tag) =	ssettag $0x2  }
0x126: {  	s0 =	rddreg [dreg:$0x0];
	s2 =	stileid.u32  }
0x127: {  	s1 =	rddreg [dreg:$0x1];
	p0 =	sne.s32 s2, $0x0  }
0x128: {  	s3 =	rddreg [dreg:$0x2];
	[bflag:$0x3] =	sbarrier.arrive $0xFFFF;
	s2 =	simm.s32 @!p0 $0x1C0B  }
0x129: {  	[timem:s3], [sflag:s2] =	dma.local @!p0 [hbm:s0], s1  }
0x12a: {  	s0 =	simm.s32 @!p0 $0xB  }
0x12b: {  	_ =	swait.ge @!p0 [sflag:s0], s1  }
0x12c: {  	s1 =	ssub.s32 @!p0 $0x0, s1;
	[sflag:s0] =	ssyncset.done @!p0 $0x0  }
0x12d: {  	[sflag:s0] =	ssyncadd.s32 @!p0 s1  }
0x12e: {  	[bflag:$0x3] =	sbarrier.arrive $0xFFFF  }
0x12f: {  	_ =	shalt  }

</sc_bundles>
